<compile_context>
chip_gen: v7x
topology: tpu7x:2x2x1
jax: 0.10.2.dev20260603
libtpu: 0.0.44.dev20260713+nightly
codegen_flags: <defaults>
</compile_context>

<pallas_src>
import functools

import jax
import jax.numpy as jnp
from jax import lax
from jax.experimental import pallas as pl
from jax.experimental.pallas import tpu as pltpu
from jax.experimental.pallas import tpu_sc as plsc

N_VOCAB = 100000
D_MODEL = 128
B_ROWS = 1024
B_COLS = 200
B_TOTAL = B_ROWS * B_COLS

NUM_WORKERS = 32
PER_WORKER = B_TOTAL // NUM_WORKERS
CHUNK = 128
NCHUNK = PER_WORKER // CHUNK
NBUF = 5
SLACK = 2

_mesh = plsc.VectorSubcoreMesh(core_axis_name="c", subcore_axis_name="s")


@functools.partial(
    pl.kernel,
    out_type=jax.ShapeDtypeStruct((NUM_WORKERS, NCHUNK, CHUNK, D_MODEL),
                                  jnp.float32),
    mesh=_mesh,
    scratch_types=(
        [pltpu.VMEM((NCHUNK, CHUNK), jnp.int32),
         pltpu.VMEM((NBUF, CHUNK, D_MODEL), jnp.float32)]
        + [pltpu.SemaphoreType.DMA] * (2 * NBUF)
    ),
)
def _embed_sc(idx_hbm, wte_hbm, out_hbm, idx_v, bufs, *sems):
  gsem = sems[:NBUF]
  ssem = sems[NBUF:]
  wid = lax.axis_index("s") * 2 + lax.axis_index("c")

  pltpu.sync_copy(idx_hbm.at[wid], idx_v)

  def start_gather(j, b):
    pltpu.async_copy(wte_hbm.at[idx_v.at[j]], bufs.at[b], gsem[b])

  def wait_gather(b):
    pltpu.make_async_copy(wte_hbm.at[idx_v.at[0]], bufs.at[b],
                          gsem[b]).wait()

  def start_store(j, b):
    pltpu.async_copy(bufs.at[b], out_hbm.at[wid, j], ssem[b])

  def wait_store(j, b):
    pltpu.make_async_copy(bufs.at[b], out_hbm.at[wid, j], ssem[b]).wait()

  for b in range(NBUF):
    start_gather(b, b)

  for j in range(SLACK):
    wait_gather(j % NBUF)
    start_store(j, j % NBUF)

  def group_body(g, carry):
    for b0 in range(NBUF):
      j = SLACK + g * NBUF + b0
      b = (SLACK + b0) % NBUF
      bo = b0 % NBUF
      wait_gather(b)
      start_store(j, b)
      wait_store(j - SLACK, bo)
      start_gather(j - SLACK + NBUF, bo)
    return carry

  lax.fori_loop(0, (NCHUNK - NBUF) // NBUF, group_body, 0)

  for j in range(NCHUNK - NBUF + SLACK, NCHUNK):
    wait_gather(j % NBUF)
    start_store(j, j % NBUF)
    wait_store(j - SLACK, (j - SLACK) % NBUF)

  for j in range(NCHUNK - SLACK, NCHUNK):
    wait_store(j, j % NBUF)


def kernel(input_ids, wte):
  idx = input_ids.astype(jnp.int32).reshape(NUM_WORKERS, NCHUNK, CHUNK)
  out = _embed_sc(idx, wte)
  return out.reshape(B_ROWS, B_COLS, D_MODEL)

# --- scband reference (transcript-rebuilt; emitter-appended) ---
"""Pipeline reference for scband-embedding-62895501083262 (READ-ONLY COPY).

The authoritative reference and input builder live on the scoring server;
editing this copy changes nothing except your own understanding.
"""

import jax, jax.numpy as jnp
import numpy as np

N_VOCAB = 100000
D_MODEL = 128
PAD_IDX = 0
SCALE_WTE = False


def setup_inputs(seed: int = 0) -> dict:
    key = jax.random.key(seed)
    k_idx, k_wte = jax.random.split(key)
    input_ids = jax.random.randint(k_idx, (1024, 200), 0, N_VOCAB, dtype=jnp.int64 if jax.config.jax_enable_x64 else jnp.int32)
    wte = jax.random.normal(k_wte, (N_VOCAB, D_MODEL), dtype=jnp.float32)
    # nn.Embedding with padding_idx zero-initializes that row
    wte = wte.at[PAD_IDX].set(0.0)
    return {"input_ids": input_ids, "wte": wte}


def reference(input_ids, wte):
    # padding_idx semantics: the pad row is fixed at zero
    w = wte.at[PAD_IDX].set(0.0)
    embeddings = jnp.take(w, input_ids, axis=0)
    if SCALE_WTE:
        embeddings = embeddings * (D_MODEL ** 0.5)
    return embeddings

if __name__ == "__main__":
    import jax
    _d = setup_inputs()
    print(jax.jit(kernel)(*tuple(_d.values())))

</pallas_src>

<mosaic_0001>
#map = affine_map<(d0, d1) -> (0, 0, 0)>
#map1 = affine_map<(d0, d1) -> (0, 0)>
#map2 = affine_map<(d0, d1) -> (0, 0, 0, 0)>
module attributes {stable_mosaic.version = 14 : i64} {
  func.func @_embed_sc(%arg0: i32, %arg1: i32, %arg2: memref<32x50x128xi32, #tpu.memory_space<hbm>>, %arg3: memref<100000x128xf32, #tpu.memory_space<hbm>>, %arg4: memref<32x50x128x128xf32, #tpu.memory_space<hbm>>, %arg5: memref<50x128xi32, #tpu.memory_space<vmem>>, %arg6: memref<5x128x128xf32, #tpu.memory_space<vmem>>, %arg7: memref<!tpu.dma_semaphore, #tpu.memory_space<semaphore_mem>>, %arg8: memref<!tpu.dma_semaphore, #tpu.memory_space<semaphore_mem>>, %arg9: memref<!tpu.dma_semaphore, #tpu.memory_space<semaphore_mem>>, %arg10: memref<!tpu.dma_semaphore, #tpu.memory_space<semaphore_mem>>, %arg11: memref<!tpu.dma_semaphore, #tpu.memory_space<semaphore_mem>>, %arg12: memref<!tpu.dma_semaphore, #tpu.memory_space<semaphore_mem>>, %arg13: memref<!tpu.dma_semaphore, #tpu.memory_space<semaphore_mem>>, %arg14: memref<!tpu.dma_semaphore, #tpu.memory_space<semaphore_mem>>, %arg15: memref<!tpu.dma_semaphore, #tpu.memory_space<semaphore_mem>>, %arg16: memref<!tpu.dma_semaphore, #tpu.memory_space<semaphore_mem>>) attributes {dimension_semantics = [#tpu.dimension_semantics<core_parallel>, #tpu.dimension_semantics<subcore_parallel>], iteration_bounds = array<i64: 2, 16>, scalar_prefetch = 0 : i64, scratch_operands = 12 : i64, tpu.core_type = #tpu.core_type<sc_vector_subcore>, window_params = [{transform_indices = #map}, {transform_indices = #map1}, {transform_indices = #map2}]} {
    %mul3A = arith.constant 2 : i32
    %mul3A_0 = arith.muli %arg1, %mul3A : i32
    %add3A = arith.addi %mul3A_0, %arg0 : i32
    "tpu.region"() ({
      %run_scoped3A = tpu.sem_alloc : memref<!tpu.dma_semaphore, #tpu.memory_space<semaphore_mem>>
      %dma_start3A_304 = arith.constant 0 : i32
      %dma_start3A_305 = arith.constant 0 : i32
      %dma_start3A_306 = tpu.memref_slice %arg2[%add3A, %dma_start3A_304, %dma_start3A_305] : memref<32x50x128xi32, #tpu.memory_space<hbm>> -> memref<1x50x128xi32, #tpu.memory_space<hbm>>
      %dma_start3A_307 = tpu.memref_squeeze %dma_start3A_306 : memref<1x50x128xi32, #tpu.memory_space<hbm>> -> memref<50x128xi32, #tpu.memory_space<hbm>>
      %dma_start3A_308 = arith.constant 0 : i32
      %dma_start3A_309 = arith.constant 0 : i32
      %dma_start3A_310 = tpu.memref_slice %arg2[%add3A, %dma_start3A_308, %dma_start3A_309] : memref<32x50x128xi32, #tpu.memory_space<hbm>> -> memref<1x50x128xi32, #tpu.memory_space<hbm>>
      %dma_start3A_311 = tpu.memref_squeeze %dma_start3A_310 : memref<1x50x128xi32, #tpu.memory_space<hbm>> -> memref<50x128xi32, #tpu.memory_space<hbm>>
      tpu.enqueue_dma source(%dma_start3A_311 : memref<50x128xi32, #tpu.memory_space<hbm>>) target(%arg5 : memref<50x128xi32, #tpu.memory_space<vmem>>) target_semaphore(%run_scoped3A : memref<!tpu.dma_semaphore, #tpu.memory_space<semaphore_mem>>)
      %dma_wait3A_312 = arith.constant 0 : i32
      %dma_wait3A_313 = arith.constant 0 : i32
      %dma_wait3A_314 = tpu.memref_slice %arg2[%add3A, %dma_wait3A_312, %dma_wait3A_313] : memref<32x50x128xi32, #tpu.memory_space<hbm>> -> memref<1x50x128xi32, #tpu.memory_space<hbm>>
      %dma_wait3A_315 = tpu.memref_squeeze %dma_wait3A_314 : memref<1x50x128xi32, #tpu.memory_space<hbm>> -> memref<50x128xi32, #tpu.memory_space<hbm>>
      %dma_wait3A_316 = arith.constant 0 : i32
      %dma_wait3A_317 = arith.constant 0 : i32
      %dma_wait3A_318 = tpu.memref_slice %arg2[%add3A, %dma_wait3A_316, %dma_wait3A_317] : memref<32x50x128xi32, #tpu.memory_space<hbm>> -> memref<1x50x128xi32, #tpu.memory_space<hbm>>
      %dma_wait3A_319 = tpu.memref_squeeze %dma_wait3A_318 : memref<1x50x128xi32, #tpu.memory_space<hbm>> -> memref<50x128xi32, #tpu.memory_space<hbm>>
      tpu.wait_dma2 semaphore(%run_scoped3A : memref<!tpu.dma_semaphore, #tpu.memory_space<semaphore_mem>>) src(%dma_wait3A_319 : memref<50x128xi32, #tpu.memory_space<hbm>>) dst(%arg5 : memref<50x128xi32, #tpu.memory_space<vmem>>)
      tpu.yield
    }) : () -> ()
    %dma_start3A = arith.constant 0 : i32
    %dma_start3A_1 = arith.constant 0 : i32
    %dma_start3A_2 = arith.constant 0 : i32
    %dma_start3A_3 = arith.constant 0 : i32
    %dma_start3A_4 = tpu.memref_slice %arg6[%dma_start3A_1, %dma_start3A_2, %dma_start3A_3] : memref<5x128x128xf32, #tpu.memory_space<vmem>> -> memref<1x128x128xf32, #tpu.memory_space<vmem>>
    %dma_start3A_5 = tpu.memref_squeeze %dma_start3A_4 : memref<1x128x128xf32, #tpu.memory_space<vmem>> -> memref<128x128xf32, #tpu.memory_space<vmem>>
    %dma_start3A_6 = arith.constant 0 : i32
    %dma_start3A_7 = tpu.memref_slice %arg5[%dma_start3A, %dma_start3A_6] : memref<50x128xi32, #tpu.memory_space<vmem>> -> memref<1x128xi32, #tpu.memory_space<vmem>>
    %dma_start3A_8 = tpu.memref_squeeze %dma_start3A_7 : memref<1x128xi32, #tpu.memory_space<vmem>> -> memref<128xi32, #tpu.memory_space<vmem>>
    %dma_start3A_9 = arith.constant 0 : i32
    %dma_start3A_10 = arith.constant 0 : i32
    %dma_start3A_11 = tpu.memref_slice %arg3[%dma_start3A_9, %dma_start3A_10] : memref<100000x128xf32, #tpu.memory_space<hbm>> -> memref<100000x128xf32, #tpu.memory_space<hbm>>
    tpu.enqueue_indirect_dma source(%dma_start3A_11 : memref<100000x128xf32, #tpu.memory_space<hbm>>) target(%dma_start3A_5 : memref<128x128xf32, #tpu.memory_space<vmem>>) offsets(%dma_start3A_8 : memref<128xi32, #tpu.memory_space<vmem>>) semaphore(%arg7 : memref<!tpu.dma_semaphore, #tpu.memory_space<semaphore_mem>>)
    %dma_start3A_12 = arith.constant 1 : i32
    %dma_start3A_13 = arith.constant 1 : i32
    %dma_start3A_14 = arith.constant 0 : i32
    %dma_start3A_15 = arith.constant 0 : i32
    %dma_start3A_16 = tpu.memref_slice %arg6[%dma_start3A_13, %dma_start3A_14, %dma_start3A_15] : memref<5x128x128xf32, #tpu.memory_space<vmem>> -> memref<1x128x128xf32, #tpu.memory_space<vmem>>
    %dma_start3A_17 = tpu.memref_squeeze %dma_start3A_16 : memref<1x128x128xf32, #tpu.memory_space<vmem>> -> memref<128x128xf32, #tpu.memory_space<vmem>>
    %dma_start3A_18 = arith.constant 0 : i32
    %dma_start3A_19 = tpu.memref_slice %arg5[%dma_start3A_12, %dma_start3A_18] : memref<50x128xi32, #tpu.memory_space<vmem>> -> memref<1x128xi32, #tpu.memory_space<vmem>>
    %dma_start3A_20 = tpu.memref_squeeze %dma_start3A_19 : memref<1x128xi32, #tpu.memory_space<vmem>> -> memref<128xi32, #tpu.memory_space<vmem>>
    %dma_start3A_21 = arith.constant 0 : i32
    %dma_start3A_22 = arith.constant 0 : i32
    %dma_start3A_23 = tpu.memref_slice %arg3[%dma_start3A_21, %dma_start3A_22] : memref<100000x128xf32, #tpu.memory_space<hbm>> -> memref<100000x128xf32, #tpu.memory_space<hbm>>
    tpu.enqueue_indirect_dma source(%dma_start3A_23 : memref<100000x128xf32, #tpu.memory_space<hbm>>) target(%dma_start3A_17 : memref<128x128xf32, #tpu.memory_space<vmem>>) offsets(%dma_start3A_20 : memref<128xi32, #tpu.memory_space<vmem>>) semaphore(%arg8 : memref<!tpu.dma_semaphore, #tpu.memory_space<semaphore_mem>>)
    %dma_start3A_24 = arith.constant 2 : i32
    %dma_start3A_25 = arith.constant 2 : i32
    %dma_start3A_26 = arith.constant 0 : i32
    %dma_start3A_27 = arith.constant 0 : i32
    %dma_start3A_28 = tpu.memref_slice %arg6[%dma_start3A_25, %dma_start3A_26, %dma_start3A_27] : memref<5x128x128xf32, #tpu.memory_space<vmem>> -> memref<1x128x128xf32, #tpu.memory_space<vmem>>
    %dma_start3A_29 = tpu.memref_squeeze %dma_start3A_28 : memref<1x128x128xf32, #tpu.memory_space<vmem>> -> memref<128x128xf32, #tpu.memory_space<vmem>>
    %dma_start3A_30 = arith.constant 0 : i32
    %dma_start3A_31 = tpu.memref_slice %arg5[%dma_start3A_24, %dma_start3A_30] : memref<50x128xi32, #tpu.memory_space<vmem>> -> memref<1x128xi32, #tpu.memory_space<vmem>>
    %dma_start3A_32 = tpu.memref_squeeze %dma_start3A_31 : memref<1x128xi32, #tpu.memory_space<vmem>> -> memref<128xi32, #tpu.memory_space<vmem>>
    %dma_start3A_33 = arith.constant 0 : i32
    %dma_start3A_34 = arith.constant 0 : i32
    %dma_start3A_35 = tpu.memref_slice %arg3[%dma_start3A_33, %dma_start3A_34] : memref<100000x128xf32, #tpu.memory_space<hbm>> -> memref<100000x128xf32, #tpu.memory_space<hbm>>
    tpu.enqueue_indirect_dma source(%dma_start3A_35 : memref<100000x128xf32, #tpu.memory_space<hbm>>) target(%dma_start3A_29 : memref<128x128xf32, #tpu.memory_space<vmem>>) offsets(%dma_start3A_32 : memref<128xi32, #tpu.memory_space<vmem>>) semaphore(%arg9 : memref<!tpu.dma_semaphore, #tpu.memory_space<semaphore_mem>>)
    %dma_start3A_36 = arith.constant 3 : i32
    %dma_start3A_37 = arith.constant 3 : i32
    %dma_start3A_38 = arith.constant 0 : i32
    %dma_start3A_39 = arith.constant 0 : i32
    %dma_start3A_40 = tpu.memref_slice %arg6[%dma_start3A_37, %dma_start3A_38, %dma_start3A_39] : memref<5x128x128xf32, #tpu.memory_space<vmem>> -> memref<1x128x128xf32, #tpu.memory_space<vmem>>
    %dma_start3A_41 = tpu.memref_squeeze %dma_start3A_40 : memref<1x128x128xf32, #tpu.memory_space<vmem>> -> memref<128x128xf32, #tpu.memory_space<vmem>>
    %dma_start3A_42 = arith.constant 0 : i32
    %dma_start3A_43 = tpu.memref_slice %arg5[%dma_start3A_36, %dma_start3A_42] : memref<50x128xi32, #tpu.memory_space<vmem>> -> memref<1x128xi32, #tpu.memory_space<vmem>>
    %dma_start3A_44 = tpu.memref_squeeze %dma_start3A_43 : memref<1x128xi32, #tpu.memory_space<vmem>> -> memref<128xi32, #tpu.memory_space<vmem>>
    %dma_start3A_45 = arith.constant 0 : i32
    %dma_start3A_46 = arith.constant 0 : i32
    %dma_start3A_47 = tpu.memref_slice %arg3[%dma_start3A_45, %dma_start3A_46] : memref<100000x128xf32, #tpu.memory_space<hbm>> -> memref<100000x128xf32, #tpu.memory_space<hbm>>
    tpu.enqueue_indirect_dma source(%dma_start3A_47 : memref<100000x128xf32, #tpu.memory_space<hbm>>) target(%dma_start3A_41 : memref<128x128xf32, #tpu.memory_space<vmem>>) offsets(%dma_start3A_44 : memref<128xi32, #tpu.memory_space<vmem>>) semaphore(%arg10 : memref<!tpu.dma_semaphore, #tpu.memory_space<semaphore_mem>>)
    %dma_start3A_48 = arith.constant 4 : i32
    %dma_start3A_49 = arith.constant 4 : i32
    %dma_start3A_50 = arith.constant 0 : i32
    %dma_start3A_51 = arith.constant 0 : i32
    %dma_start3A_52 = tpu.memref_slice %arg6[%dma_start3A_49, %dma_start3A_50, %dma_start3A_51] : memref<5x128x128xf32, #tpu.memory_space<vmem>> -> memref<1x128x128xf32, #tpu.memory_space<vmem>>
    %dma_start3A_53 = tpu.memref_squeeze %dma_start3A_52 : memref<1x128x128xf32, #tpu.memory_space<vmem>> -> memref<128x128xf32, #tpu.memory_space<vmem>>
    %dma_start3A_54 = arith.constant 0 : i32
    %dma_start3A_55 = tpu.memref_slice %arg5[%dma_start3A_48, %dma_start3A_54] : memref<50x128xi32, #tpu.memory_space<vmem>> -> memref<1x128xi32, #tpu.memory_space<vmem>>
    %dma_start3A_56 = tpu.memref_squeeze %dma_start3A_55 : memref<1x128xi32, #tpu.memory_space<vmem>> -> memref<128xi32, #tpu.memory_space<vmem>>
    %dma_start3A_57 = arith.constant 0 : i32
    %dma_start3A_58 = arith.constant 0 : i32
    %dma_start3A_59 = tpu.memref_slice %arg3[%dma_start3A_57, %dma_start3A_58] : memref<100000x128xf32, #tpu.memory_space<hbm>> -> memref<100000x128xf32, #tpu.memory_space<hbm>>
    tpu.enqueue_indirect_dma source(%dma_start3A_59 : memref<100000x128xf32, #tpu.memory_space<hbm>>) target(%dma_start3A_53 : memref<128x128xf32, #tpu.memory_space<vmem>>) offsets(%dma_start3A_56 : memref<128xi32, #tpu.memory_space<vmem>>) semaphore(%arg11 : memref<!tpu.dma_semaphore, #tpu.memory_space<semaphore_mem>>)
    %dma_wait3A = arith.constant 0 : i32
    %dma_wait3A_60 = arith.constant 0 : i32
    %dma_wait3A_61 = arith.constant 0 : i32
    %dma_wait3A_62 = arith.constant 0 : i32
    %dma_wait3A_63 = tpu.memref_slice %arg6[%dma_wait3A_60, %dma_wait3A_61, %dma_wait3A_62] : memref<5x128x128xf32, #tpu.memory_space<vmem>> -> memref<1x128x128xf32, #tpu.memory_space<vmem>>
    %dma_wait3A_64 = tpu.memref_squeeze %dma_wait3A_63 : memref<1x128x128xf32, #tpu.memory_space<vmem>> -> memref<128x128xf32, #tpu.memory_space<vmem>>
    %dma_wait3A_65 = arith.constant 0 : i32
    %dma_wait3A_66 = tpu.memref_slice %arg5[%dma_wait3A, %dma_wait3A_65] : memref<50x128xi32, #tpu.memory_space<vmem>> -> memref<1x128xi32, #tpu.memory_space<vmem>>
    %dma_wait3A_67 = tpu.memref_squeeze %dma_wait3A_66 : memref<1x128xi32, #tpu.memory_space<vmem>> -> memref<128xi32, #tpu.memory_space<vmem>>
    %dma_wait3A_68 = arith.constant 0 : i32
    %dma_wait3A_69 = arith.constant 0 : i32
    %dma_wait3A_70 = tpu.memref_slice %arg3[%dma_wait3A_68, %dma_wait3A_69] : memref<100000x128xf32, #tpu.memory_space<hbm>> -> memref<100000x128xf32, #tpu.memory_space<hbm>>
    tpu.wait_indirect_dma semaphore(%arg7 : memref<!tpu.dma_semaphore, #tpu.memory_space<semaphore_mem>>) src(%dma_wait3A_70 : memref<100000x128xf32, #tpu.memory_space<hbm>>) dst(%dma_wait3A_64 : memref<128x128xf32, #tpu.memory_space<vmem>>)
    %dma_start3A_71 = arith.constant 0 : i32
    %dma_start3A_72 = arith.constant 0 : i32
    %dma_start3A_73 = arith.constant 0 : i32
    %dma_start3A_74 = arith.constant 0 : i32
    %dma_start3A_75 = tpu.memref_slice %arg6[%dma_start3A_71, %dma_start3A_73, %dma_start3A_74] : memref<5x128x128xf32, #tpu.memory_space<vmem>> -> memref<1x128x128xf32, #tpu.memory_space<vmem>>
    %dma_start3A_76 = tpu.memref_squeeze %dma_start3A_75 : memref<1x128x128xf32, #tpu.memory_space<vmem>> -> memref<128x128xf32, #tpu.memory_space<vmem>>
    %dma_start3A_77 = arith.constant 0 : i32
    %dma_start3A_78 = arith.constant 0 : i32
    %dma_start3A_79 = tpu.memref_slice %arg4[%add3A, %dma_start3A_72, %dma_start3A_77, %dma_start3A_78] : memref<32x50x128x128xf32, #tpu.memory_space<hbm>> -> memref<1x1x128x128xf32, #tpu.memory_space<hbm>>
    %dma_start3A_80 = tpu.memref_squeeze %dma_start3A_79 : memref<1x1x128x128xf32, #tpu.memory_space<hbm>> -> memref<128x128xf32, #tpu.memory_space<hbm>>
    %dma_start3A_81 = arith.constant 0 : i32
    %dma_start3A_82 = arith.constant 0 : i32
    %dma_start3A_83 = tpu.memref_slice %arg4[%add3A, %dma_start3A_72, %dma_start3A_81, %dma_start3A_82] : memref<32x50x128x128xf32, #tpu.memory_space<hbm>> -> memref<1x1x128x128xf32, #tpu.memory_space<hbm>>
    %dma_start3A_84 = tpu.memref_squeeze %dma_start3A_83 : memref<1x1x128x128xf32, #tpu.memory_space<hbm>> -> memref<128x128xf32, #tpu.memory_space<hbm>>
    %dma_start3A_85 = arith.constant 0 : i32
    %dma_start3A_86 = arith.constant 0 : i32
    %dma_start3A_87 = tpu.memref_slice %arg6[%dma_start3A_71, %dma_start3A_85, %dma_start3A_86] : memref<5x128x128xf32, #tpu.memory_space<vmem>> -> memref<1x128x128xf32, #tpu.memory_space<vmem>>
    %dma_start3A_88 = tpu.memref_squeeze %dma_start3A_87 : memref<1x128x128xf32, #tpu.memory_space<vmem>> -> memref<128x128xf32, #tpu.memory_space<vmem>>
    tpu.enqueue_dma source(%dma_start3A_88 : memref<128x128xf32, #tpu.memory_space<vmem>>) target(%dma_start3A_84 : memref<128x128xf32, #tpu.memory_space<hbm>>) target_semaphore(%arg12 : memref<!tpu.dma_semaphore, #tpu.memory_space<semaphore_mem>>)
    %dma_wait3A_89 = arith.constant 0 : i32
    %dma_wait3A_90 = arith.constant 1 : i32
    %dma_wait3A_91 = arith.constant 0 : i32
    %dma_wait3A_92 = arith.constant 0 : i32
    %dma_wait3A_93 = tpu.memref_slice %arg6[%dma_wait3A_90, %dma_wait3A_91, %dma_wait3A_92] : memref<5x128x128xf32, #tpu.memory_space<vmem>> -> memref<1x128x128xf32, #tpu.memory_space<vmem>>
    %dma_wait3A_94 = tpu.memref_squeeze %dma_wait3A_93 : memref<1x128x128xf32, #tpu.memory_space<vmem>> -> memref<128x128xf32, #tpu.memory_space<vmem>>
    %dma_wait3A_95 = arith.constant 0 : i32
    %dma_wait3A_96 = tpu.memref_slice %arg5[%dma_wait3A_89, %dma_wait3A_95] : memref<50x128xi32, #tpu.memory_space<vmem>> -> memref<1x128xi32, #tpu.memory_space<vmem>>
    %dma_wait3A_97 = tpu.memref_squeeze %dma_wait3A_96 : memref<1x128xi32, #tpu.memory_space<vmem>> -> memref<128xi32, #tpu.memory_space<vmem>>
    %dma_wait3A_98 = arith.constant 0 : i32
    %dma_wait3A_99 = arith.constant 0 : i32
    %dma_wait3A_100 = tpu.memref_slice %arg3[%dma_wait3A_98, %dma_wait3A_99] : memref<100000x128xf32, #tpu.memory_space<hbm>> -> memref<100000x128xf32, #tpu.memory_space<hbm>>
    tpu.wait_indirect_dma semaphore(%arg8 : memref<!tpu.dma_semaphore, #tpu.memory_space<semaphore_mem>>) src(%dma_wait3A_100 : memref<100000x128xf32, #tpu.memory_space<hbm>>) dst(%dma_wait3A_94 : memref<128x128xf32, #tpu.memory_space<vmem>>)
    %dma_start3A_101 = arith.constant 1 : i32
    %dma_start3A_102 = arith.constant 1 : i32
    %dma_start3A_103 = arith.constant 0 : i32
    %dma_start3A_104 = arith.constant 0 : i32
    %dma_start3A_105 = tpu.memref_slice %arg6[%dma_start3A_101, %dma_start3A_103, %dma_start3A_104] : memref<5x128x128xf32, #tpu.memory_space<vmem>> -> memref<1x128x128xf32, #tpu.memory_space<vmem>>
    %dma_start3A_106 = tpu.memref_squeeze %dma_start3A_105 : memref<1x128x128xf32, #tpu.memory_space<vmem>> -> memref<128x128xf32, #tpu.memory_space<vmem>>
    %dma_start3A_107 = arith.constant 0 : i32
    %dma_start3A_108 = arith.constant 0 : i32
    %dma_start3A_109 = tpu.memref_slice %arg4[%add3A, %dma_start3A_102, %dma_start3A_107, %dma_start3A_108] : memref<32x50x128x128xf32, #tpu.memory_space<hbm>> -> memref<1x1x128x128xf32, #tpu.memory_space<hbm>>
    %dma_start3A_110 = tpu.memref_squeeze %dma_start3A_109 : memref<1x1x128x128xf32, #tpu.memory_space<hbm>> -> memref<128x128xf32, #tpu.memory_space<hbm>>
    %dma_start3A_111 = arith.constant 0 : i32
    %dma_start3A_112 = arith.constant 0 : i32
    %dma_start3A_113 = tpu.memref_slice %arg4[%add3A, %dma_start3A_102, %dma_start3A_111, %dma_start3A_112] : memref<32x50x128x128xf32, #tpu.memory_space<hbm>> -> memref<1x1x128x128xf32, #tpu.memory_space<hbm>>
    %dma_start3A_114 = tpu.memref_squeeze %dma_start3A_113 : memref<1x1x128x128xf32, #tpu.memory_space<hbm>> -> memref<128x128xf32, #tpu.memory_space<hbm>>
    %dma_start3A_115 = arith.constant 0 : i32
    %dma_start3A_116 = arith.constant 0 : i32
    %dma_start3A_117 = tpu.memref_slice %arg6[%dma_start3A_101, %dma_start3A_115, %dma_start3A_116] : memref<5x128x128xf32, #tpu.memory_space<vmem>> -> memref<1x128x128xf32, #tpu.memory_space<vmem>>
    %dma_start3A_118 = tpu.memref_squeeze %dma_start3A_117 : memref<1x128x128xf32, #tpu.memory_space<vmem>> -> memref<128x128xf32, #tpu.memory_space<vmem>>
    tpu.enqueue_dma source(%dma_start3A_118 : memref<128x128xf32, #tpu.memory_space<vmem>>) target(%dma_start3A_114 : memref<128x128xf32, #tpu.memory_space<hbm>>) target_semaphore(%arg13 : memref<!tpu.dma_semaphore, #tpu.memory_space<semaphore_mem>>)
    %scan3A = arith.constant 0 : i32
    %scan3A_119 = arith.constant 0 : i32
    %scan3A_120 = arith.constant 9 : i32
    %scan3A_121 = arith.addi %scan3A_119, %scan3A_120 : i32
    %scan3A_122 = arith.constant 1 : i32
    scf.for %scan3A_304 = %scan3A_119 to %scan3A_121 step %scan3A_122  : i32 {
      %mul3A_305 = arith.constant 5 : i32
      %mul3A_306 = arith.muli %scan3A_304, %mul3A_305 : i32
      %add3A_307 = arith.constant 2 : i32
      %add3A_308 = arith.addi %add3A_307, %mul3A_306 : i32
      %add3A_309 = arith.constant 0 : i32
      %add3A_310 = arith.addi %add3A_308, %add3A_309 : i32
      %dma_wait3A_311 = arith.constant 0 : i32
      %dma_wait3A_312 = arith.constant 2 : i32
      %dma_wait3A_313 = arith.constant 0 : i32
      %dma_wait3A_314 = arith.constant 0 : i32
      %dma_wait3A_315 = tpu.memref_slice %arg6[%dma_wait3A_312, %dma_wait3A_313, %dma_wait3A_314] : memref<5x128x128xf32, #tpu.memory_space<vmem>> -> memref<1x128x128xf32, #tpu.memory_space<vmem>>
      %dma_wait3A_316 = tpu.memref_squeeze %dma_wait3A_315 : memref<1x128x128xf32, #tpu.memory_space<vmem>> -> memref<128x128xf32, #tpu.memory_space<vmem>>
      %dma_wait3A_317 = arith.constant 0 : i32
      %dma_wait3A_318 = tpu.memref_slice %arg5[%dma_wait3A_311, %dma_wait3A_317] : memref<50x128xi32, #tpu.memory_space<vmem>> -> memref<1x128xi32, #tpu.memory_space<vmem>>
      %dma_wait3A_319 = tpu.memref_squeeze %dma_wait3A_318 : memref<1x128xi32, #tpu.memory_space<vmem>> -> memref<128xi32, #tpu.memory_space<vmem>>
      %dma_wait3A_320 = arith.constant 0 : i32
      %dma_wait3A_321 = arith.constant 0 : i32
      %dma_wait3A_322 = tpu.memref_slice %arg3[%dma_wait3A_320, %dma_wait3A_321] : memref<100000x128xf32, #tpu.memory_space<hbm>> -> memref<100000x128xf32, #tpu.memory_space<hbm>>
      tpu.wait_indirect_dma semaphore(%arg9 : memref<!tpu.dma_semaphore, #tpu.memory_space<semaphore_mem>>) src(%dma_wait3A_322 : memref<100000x128xf32, #tpu.memory_space<hbm>>) dst(%dma_wait3A_316 : memref<128x128xf32, #tpu.memory_space<vmem>>)
      %dma_start3A_323 = arith.constant 2 : i32
      %dma_start3A_324 = arith.constant 0 : i32
      %dma_start3A_325 = arith.constant 0 : i32
      %dma_start3A_326 = tpu.memref_slice %arg6[%dma_start3A_323, %dma_start3A_324, %dma_start3A_325] : memref<5x128x128xf32, #tpu.memory_space<vmem>> -> memref<1x128x128xf32, #tpu.memory_space<vmem>>
      %dma_start3A_327 = tpu.memref_squeeze %dma_start3A_326 : memref<1x128x128xf32, #tpu.memory_space<vmem>> -> memref<128x128xf32, #tpu.memory_space<vmem>>
      %dma_start3A_328 = arith.constant 0 : i32
      %dma_start3A_329 = arith.constant 0 : i32
      %dma_start3A_330 = tpu.memref_slice %arg4[%add3A, %add3A_310, %dma_start3A_328, %dma_start3A_329] : memref<32x50x128x128xf32, #tpu.memory_space<hbm>> -> memref<1x1x128x128xf32, #tpu.memory_space<hbm>>
      %dma_start3A_331 = tpu.memref_squeeze %dma_start3A_330 : memref<1x1x128x128xf32, #tpu.memory_space<hbm>> -> memref<128x128xf32, #tpu.memory_space<hbm>>
      %dma_start3A_332 = arith.constant 0 : i32
      %dma_start3A_333 = arith.constant 0 : i32
      %dma_start3A_334 = tpu.memref_slice %arg4[%add3A, %add3A_310, %dma_start3A_332, %dma_start3A_333] : memref<32x50x128x128xf32, #tpu.memory_space<hbm>> -> memref<1x1x128x128xf32, #tpu.memory_space<hbm>>
      %dma_start3A_335 = tpu.memref_squeeze %dma_start3A_334 : memref<1x1x128x128xf32, #tpu.memory_space<hbm>> -> memref<128x128xf32, #tpu.memory_space<hbm>>
      %dma_start3A_336 = arith.constant 0 : i32
      %dma_start3A_337 = arith.constant 0 : i32
      %dma_start3A_338 = tpu.memref_slice %arg6[%dma_start3A_323, %dma_start3A_336, %dma_start3A_337] : memref<5x128x128xf32, #tpu.memory_space<vmem>> -> memref<1x128x128xf32, #tpu.memory_space<vmem>>
      %dma_start3A_339 = tpu.memref_squeeze %dma_start3A_338 : memref<1x128x128xf32, #tpu.memory_space<vmem>> -> memref<128x128xf32, #tpu.memory_space<vmem>>
      tpu.enqueue_dma source(%dma_start3A_339 : memref<128x128xf32, #tpu.memory_space<vmem>>) target(%dma_start3A_335 : memref<128x128xf32, #tpu.memory_space<hbm>>) target_semaphore(%arg14 : memref<!tpu.dma_semaphore, #tpu.memory_space<semaphore_mem>>)
      %sub3A = arith.constant 2 : i32
      %sub3A_340 = arith.subi %add3A_310, %sub3A : i32
      %dma_wait3A_341 = arith.constant 0 : i32
      %dma_wait3A_342 = arith.constant 0 : i32
      %dma_wait3A_343 = arith.constant 0 : i32
      %dma_wait3A_344 = tpu.memref_slice %arg6[%dma_wait3A_341, %dma_wait3A_342, %dma_wait3A_343] : memref<5x128x128xf32, #tpu.memory_space<vmem>> -> memref<1x128x128xf32, #tpu.memory_space<vmem>>
      %dma_wait3A_345 = tpu.memref_squeeze %dma_wait3A_344 : memref<1x128x128xf32, #tpu.memory_space<vmem>> -> memref<128x128xf32, #tpu.memory_space<vmem>>
      %dma_wait3A_346 = arith.constant 0 : i32
      %dma_wait3A_347 = arith.constant 0 : i32
      %dma_wait3A_348 = tpu.memref_slice %arg4[%add3A, %sub3A_340, %dma_wait3A_346, %dma_wait3A_347] : memref<32x50x128x128xf32, #tpu.memory_space<hbm>> -> memref<1x1x128x128xf32, #tpu.memory_space<hbm>>
      %dma_wait3A_349 = tpu.memref_squeeze %dma_wait3A_348 : memref<1x1x128x128xf32, #tpu.memory_space<hbm>> -> memref<128x128xf32, #tpu.memory_space<hbm>>
      %dma_wait3A_350 = arith.constant 0 : i32
      %dma_wait3A_351 = arith.constant 0 : i32
      %dma_wait3A_352 = tpu.memref_slice %arg4[%add3A, %sub3A_340, %dma_wait3A_350, %dma_wait3A_351] : memref<32x50x128x128xf32, #tpu.memory_space<hbm>> -> memref<1x1x128x128xf32, #tpu.memory_space<hbm>>
      %dma_wait3A_353 = tpu.memref_squeeze %dma_wait3A_352 : memref<1x1x128x128xf32, #tpu.memory_space<hbm>> -> memref<128x128xf32, #tpu.memory_space<hbm>>
      %dma_wait3A_354 = arith.constant 0 : i32
      %dma_wait3A_355 = arith.constant 0 : i32
      %dma_wait3A_356 = tpu.memref_slice %arg6[%dma_wait3A_341, %dma_wait3A_354, %dma_wait3A_355] : memref<5x128x128xf32, #tpu.memory_space<vmem>> -> memref<1x128x128xf32, #tpu.memory_space<vmem>>
      %dma_wait3A_357 = tpu.memref_squeeze %dma_wait3A_356 : memref<1x128x128xf32, #tpu.memory_space<vmem>> -> memref<128x128xf32, #tpu.memory_space<vmem>>
      tpu.wait_dma2 semaphore(%arg12 : memref<!tpu.dma_semaphore, #tpu.memory_space<semaphore_mem>>) src(%dma_wait3A_357 : memref<128x128xf32, #tpu.memory_space<vmem>>) dst(%dma_wait3A_353 : memref<128x128xf32, #tpu.memory_space<hbm>>)
      %sub3A_358 = arith.constant 2 : i32
      %sub3A_359 = arith.subi %add3A_310, %sub3A_358 : i32
      %add3A_360 = arith.constant 5 : i32
      %add3A_361 = arith.addi %sub3A_359, %add3A_360 : i32
      %dma_start3A_362 = arith.constant 0 : i32
      %dma_start3A_363 = arith.constant 0 : i32
      %dma_start3A_364 = arith.constant 0 : i32
      %dma_start3A_365 = tpu.memref_slice %arg6[%dma_start3A_362, %dma_start3A_363, %dma_start3A_364] : memref<5x128x128xf32, #tpu.memory_space<vmem>> -> memref<1x128x128xf32, #tpu.memory_space<vmem>>
      %dma_start3A_366 = tpu.memref_squeeze %dma_start3A_365 : memref<1x128x128xf32, #tpu.memory_space<vmem>> -> memref<128x128xf32, #tpu.memory_space<vmem>>
      %dma_start3A_367 = arith.constant 0 : i32
      %dma_start3A_368 = tpu.memref_slice %arg5[%add3A_361, %dma_start3A_367] : memref<50x128xi32, #tpu.memory_space<vmem>> -> memref<1x128xi32, #tpu.memory_space<vmem>>
      %dma_start3A_369 = tpu.memref_squeeze %dma_start3A_368 : memref<1x128xi32, #tpu.memory_space<vmem>> -> memref<128xi32, #tpu.memory_space<vmem>>
      %dma_start3A_370 = arith.constant 0 : i32
      %dma_start3A_371 = arith.constant 0 : i32
      %dma_start3A_372 = tpu.memref_slice %arg3[%dma_start3A_370, %dma_start3A_371] : memref<100000x128xf32, #tpu.memory_space<hbm>> -> memref<100000x128xf32, #tpu.memory_space<hbm>>
      tpu.enqueue_indirect_dma source(%dma_start3A_372 : memref<100000x128xf32, #tpu.memory_space<hbm>>) target(%dma_start3A_366 : memref<128x128xf32, #tpu.memory_space<vmem>>) offsets(%dma_start3A_369 : memref<128xi32, #tpu.memory_space<vmem>>) semaphore(%arg7 : memref<!tpu.dma_semaphore, #tpu.memory_space<semaphore_mem>>)
      %mul3A_373 = arith.constant 5 : i32
      %mul3A_374 = arith.muli %scan3A_304, %mul3A_373 : i32
      %add3A_375 = arith.constant 2 : i32
      %add3A_376 = arith.addi %add3A_375, %mul3A_374 : i32
      %add3A_377 = arith.constant 1 : i32
      %add3A_378 = arith.addi %add3A_376, %add3A_377 : i32
      %dma_wait3A_379 = arith.constant 0 : i32
      %dma_wait3A_380 = arith.constant 3 : i32
      %dma_wait3A_381 = arith.constant 0 : i32
      %dma_wait3A_382 = arith.constant 0 : i32
      %dma_wait3A_383 = tpu.memref_slice %arg6[%dma_wait3A_380, %dma_wait3A_381, %dma_wait3A_382] : memref<5x128x128xf32, #tpu.memory_space<vmem>> -> memref<1x128x128xf32, #tpu.memory_space<vmem>>
      %dma_wait3A_384 = tpu.memref_squeeze %dma_wait3A_383 : memref<1x128x128xf32, #tpu.memory_space<vmem>> -> memref<128x128xf32, #tpu.memory_space<vmem>>
      %dma_wait3A_385 = arith.constant 0 : i32
      %dma_wait3A_386 = tpu.memref_slice %arg5[%dma_wait3A_379, %dma_wait3A_385] : memref<50x128xi32, #tpu.memory_space<vmem>> -> memref<1x128xi32, #tpu.memory_space<vmem>>
      %dma_wait3A_387 = tpu.memref_squeeze %dma_wait3A_386 : memref<1x128xi32, #tpu.memory_space<vmem>> -> memref<128xi32, #tpu.memory_space<vmem>>
      %dma_wait3A_388 = arith.constant 0 : i32
      %dma_wait3A_389 = arith.constant 0 : i32
      %dma_wait3A_390 = tpu.memref_slice %arg3[%dma_wait3A_388, %dma_wait3A_389] : memref<100000x128xf32, #tpu.memory_space<hbm>> -> memref<100000x128xf32, #tpu.memory_space<hbm>>
      tpu.wait_indirect_dma semaphore(%arg10 : memref<!tpu.dma_semaphore, #tpu.memory_space<semaphore_mem>>) src(%dma_wait3A_390 : memref<100000x128xf32, #tpu.memory_space<hbm>>) dst(%dma_wait3A_384 : memref<128x128xf32, #tpu.memory_space<vmem>>)
      %dma_start3A_391 = arith.constant 3 : i32
      %dma_start3A_392 = arith.constant 0 : i32
      %dma_start3A_393 = arith.constant 0 : i32
      %dma_start3A_394 = tpu.memref_slice %arg6[%dma_start3A_391, %dma_start3A_392, %dma_start3A_393] : memref<5x128x128xf32, #tpu.memory_space<vmem>> -> memref<1x128x128xf32, #tpu.memory_space<vmem>>
      %dma_start3A_395 = tpu.memref_squeeze %dma_start3A_394 : memref<1x128x128xf32, #tpu.memory_space<vmem>> -> memref<128x128xf32, #tpu.memory_space<vmem>>
      %dma_start3A_396 = arith.constant 0 : i32
      %dma_start3A_397 = arith.constant 0 : i32
      %dma_start3A_398 = tpu.memref_slice %arg4[%add3A, %add3A_378, %dma_start3A_396, %dma_start3A_397] : memref<32x50x128x128xf32, #tpu.memory_space<hbm>> -> memref<1x1x128x128xf32, #tpu.memory_space<hbm>>
      %dma_start3A_399 = tpu.memref_squeeze %dma_start3A_398 : memref<1x1x128x128xf32, #tpu.memory_space<hbm>> -> memref<128x128xf32, #tpu.memory_space<hbm>>
      %dma_start3A_400 = arith.constant 0 : i32
      %dma_start3A_401 = arith.constant 0 : i32
      %dma_start3A_402 = tpu.memref_slice %arg4[%add3A, %add3A_378, %dma_start3A_400, %dma_start3A_401] : memref<32x50x128x128xf32, #tpu.memory_space<hbm>> -> memref<1x1x128x128xf32, #tpu.memory_space<hbm>>
      %dma_start3A_403 = tpu.memref_squeeze %dma_start3A_402 : memref<1x1x128x128xf32, #tpu.memory_space<hbm>> -> memref<128x128xf32, #tpu.memory_space<hbm>>
      %dma_start3A_404 = arith.constant 0 : i32
      %dma_start3A_405 = arith.constant 0 : i32
      %dma_start3A_406 = tpu.memref_slice %arg6[%dma_start3A_391, %dma_start3A_404, %dma_start3A_405] : memref<5x128x128xf32, #tpu.memory_space<vmem>> -> memref<1x128x128xf32, #tpu.memory_space<vmem>>
      %dma_start3A_407 = tpu.memref_squeeze %dma_start3A_406 : memref<1x128x128xf32, #tpu.memory_space<vmem>> -> memref<128x128xf32, #tpu.memory_space<vmem>>
      tpu.enqueue_dma source(%dma_start3A_407 : memref<128x128xf32, #tpu.memory_space<vmem>>) target(%dma_start3A_403 : memref<128x128xf32, #tpu.memory_space<hbm>>) target_semaphore(%arg15 : memref<!tpu.dma_semaphore, #tpu.memory_space<semaphore_mem>>)
      %sub3A_408 = arith.constant 2 : i32
      %sub3A_409 = arith.subi %add3A_378, %sub3A_408 : i32
      %dma_wait3A_410 = arith.constant 1 : i32
      %dma_wait3A_411 = arith.constant 0 : i32
      %dma_wait3A_412 = arith.constant 0 : i32
      %dma_wait3A_413 = tpu.memref_slice %arg6[%dma_wait3A_410, %dma_wait3A_411, %dma_wait3A_412] : memref<5x128x128xf32, #tpu.memory_space<vmem>> -> memref<1x128x128xf32, #tpu.memory_space<vmem>>
      %dma_wait3A_414 = tpu.memref_squeeze %dma_wait3A_413 : memref<1x128x128xf32, #tpu.memory_space<vmem>> -> memref<128x128xf32, #tpu.memory_space<vmem>>
      %dma_wait3A_415 = arith.constant 0 : i32
      %dma_wait3A_416 = arith.constant 0 : i32
      %dma_wait3A_417 = tpu.memref_slice %arg4[%add3A, %sub3A_409, %dma_wait3A_415, %dma_wait3A_416] : memref<32x50x128x128xf32, #tpu.memory_space<hbm>> -> memref<1x1x128x128xf32, #tpu.memory_space<hbm>>
      %dma_wait3A_418 = tpu.memref_squeeze %dma_wait3A_417 : memref<1x1x128x128xf32, #tpu.memory_space<hbm>> -> memref<128x128xf32, #tpu.memory_space<hbm>>
      %dma_wait3A_419 = arith.constant 0 : i32
      %dma_wait3A_420 = arith.constant 0 : i32
      %dma_wait3A_421 = tpu.memref_slice %arg4[%add3A, %sub3A_409, %dma_wait3A_419, %dma_wait3A_420] : memref<32x50x128x128xf32, #tpu.memory_space<hbm>> -> memref<1x1x128x128xf32, #tpu.memory_space<hbm>>
      %dma_wait3A_422 = tpu.memref_squeeze %dma_wait3A_421 : memref<1x1x128x128xf32, #tpu.memory_space<hbm>> -> memref<128x128xf32, #tpu.memory_space<hbm>>
      %dma_wait3A_423 = arith.constant 0 : i32
      %dma_wait3A_424 = arith.constant 0 : i32
      %dma_wait3A_425 = tpu.memref_slice %arg6[%dma_wait3A_410, %dma_wait3A_423, %dma_wait3A_424] : memref<5x128x128xf32, #tpu.memory_space<vmem>> -> memref<1x128x128xf32, #tpu.memory_space<vmem>>
      %dma_wait3A_426 = tpu.memref_squeeze %dma_wait3A_425 : memref<1x128x128xf32, #tpu.memory_space<vmem>> -> memref<128x128xf32, #tpu.memory_space<vmem>>
      tpu.wait_dma2 semaphore(%arg13 : memref<!tpu.dma_semaphore, #tpu.memory_space<semaphore_mem>>) src(%dma_wait3A_426 : memref<128x128xf32, #tpu.memory_space<vmem>>) dst(%dma_wait3A_422 : memref<128x128xf32, #tpu.memory_space<hbm>>)
      %sub3A_427 = arith.constant 2 : i32
      %sub3A_428 = arith.subi %add3A_378, %sub3A_427 : i32
      %add3A_429 = arith.constant 5 : i32
      %add3A_430 = arith.addi %sub3A_428, %add3A_429 : i32
      %dma_start3A_431 = arith.constant 1 : i32
      %dma_start3A_432 = arith.constant 0 : i32
      %dma_start3A_433 = arith.constant 0 : i32
      %dma_start3A_434 = tpu.memref_slice %arg6[%dma_start3A_431, %dma_start3A_432, %dma_start3A_433] : memref<5x128x128xf32, #tpu.memory_space<vmem>> -> memref<1x128x128xf32, #tpu.memory_space<vmem>>
      %dma_start3A_435 = tpu.memref_squeeze %dma_start3A_434 : memref<1x128x128xf32, #tpu.memory_space<vmem>> -> memref<128x128xf32, #tpu.memory_space<vmem>>
      %dma_start3A_436 = arith.constant 0 : i32
      %dma_start3A_437 = tpu.memref_slice %arg5[%add3A_430, %dma_start3A_436] : memref<50x128xi32, #tpu.memory_space<vmem>> -> memref<1x128xi32, #tpu.memory_space<vmem>>
      %dma_start3A_438 = tpu.memref_squeeze %dma_start3A_437 : memref<1x128xi32, #tpu.memory_space<vmem>> -> memref<128xi32, #tpu.memory_space<vmem>>
      %dma_start3A_439 = arith.constant 0 : i32
      %dma_start3A_440 = arith.constant 0 : i32
      %dma_start3A_441 = tpu.memref_slice %arg3[%dma_start3A_439, %dma_start3A_440] : memref<100000x128xf32, #tpu.memory_space<hbm>> -> memref<100000x128xf32, #tpu.memory_space<hbm>>
      tpu.enqueue_indirect_dma source(%dma_start3A_441 : memref<100000x128xf32, #tpu.memory_space<hbm>>) target(%dma_start3A_435 : memref<128x128xf32, #tpu.memory_space<vmem>>) offsets(%dma_start3A_438 : memref<128xi32, #tpu.memory_space<vmem>>) semaphore(%arg8 : memref<!tpu.dma_semaphore, #tpu.memory_space<semaphore_mem>>)
      %mul3A_442 = arith.constant 5 : i32
      %mul3A_443 = arith.muli %scan3A_304, %mul3A_442 : i32
      %add3A_444 = arith.constant 2 : i32
      %add3A_445 = arith.addi %add3A_444, %mul3A_443 : i32
      %add3A_446 = arith.constant 2 : i32
      %add3A_447 = arith.addi %add3A_445, %add3A_446 : i32
      %dma_wait3A_448 = arith.constant 0 : i32
      %dma_wait3A_449 = arith.constant 4 : i32
      %dma_wait3A_450 = arith.constant 0 : i32
      %dma_wait3A_451 = arith.constant 0 : i32
      %dma_wait3A_452 = tpu.memref_slice %arg6[%dma_wait3A_449, %dma_wait3A_450, %dma_wait3A_451] : memref<5x128x128xf32, #tpu.memory_space<vmem>> -> memref<1x128x128xf32, #tpu.memory_space<vmem>>
      %dma_wait3A_453 = tpu.memref_squeeze %dma_wait3A_452 : memref<1x128x128xf32, #tpu.memory_space<vmem>> -> memref<128x128xf32, #tpu.memory_space<vmem>>
      %dma_wait3A_454 = arith.constant 0 : i32
      %dma_wait3A_455 = tpu.memref_slice %arg5[%dma_wait3A_448, %dma_wait3A_454] : memref<50x128xi32, #tpu.memory_space<vmem>> -> memref<1x128xi32, #tpu.memory_space<vmem>>
      %dma_wait3A_456 = tpu.memref_squeeze %dma_wait3A_455 : memref<1x128xi32, #tpu.memory_space<vmem>> -> memref<128xi32, #tpu.memory_space<vmem>>
      %dma_wait3A_457 = arith.constant 0 : i32
      %dma_wait3A_458 = arith.constant 0 : i32
      %dma_wait3A_459 = tpu.memref_slice %arg3[%dma_wait3A_457, %dma_wait3A_458] : memref<100000x128xf32, #tpu.memory_space<hbm>> -> memref<100000x128xf32, #tpu.memory_space<hbm>>
      tpu.wait_indirect_dma semaphore(%arg11 : memref<!tpu.dma_semaphore, #tpu.memory_space<semaphore_mem>>) src(%dma_wait3A_459 : memref<100000x128xf32, #tpu.memory_space<hbm>>) dst(%dma_wait3A_453 : memref<128x128xf32, #tpu.memory_space<vmem>>)
      %dma_start3A_460 = arith.constant 4 : i32
      %dma_start3A_461 = arith.constant 0 : i32
      %dma_start3A_462 = arith.constant 0 : i32
      %dma_start3A_463 = tpu.memref_slice %arg6[%dma_start3A_460, %dma_start3A_461, %dma_start3A_462] : memref<5x128x128xf32, #tpu.memory_space<vmem>> -> memref<1x128x128xf32, #tpu.memory_space<vmem>>
      %dma_start3A_464 = tpu.memref_squeeze %dma_start3A_463 : memref<1x128x128xf32, #tpu.memory_space<vmem>> -> memref<128x128xf32, #tpu.memory_space<vmem>>
      %dma_start3A_465 = arith.constant 0 : i32
      %dma_start3A_466 = arith.constant 0 : i32
      %dma_start3A_467 = tpu.memref_slice %arg4[%add3A, %add3A_447, %dma_start3A_465, %dma_start3A_466] : memref<32x50x128x128xf32, #tpu.memory_space<hbm>> -> memref<1x1x128x128xf32, #tpu.memory_space<hbm>>
      %dma_start3A_468 = tpu.memref_squeeze %dma_start3A_467 : memref<1x1x128x128xf32, #tpu.memory_space<hbm>> -> memref<128x128xf32, #tpu.memory_space<hbm>>
      %dma_start3A_469 = arith.constant 0 : i32
      %dma_start3A_470 = arith.constant 0 : i32
      %dma_start3A_471 = tpu.memref_slice %arg4[%add3A, %add3A_447, %dma_start3A_469, %dma_start3A_470] : memref<32x50x128x128xf32, #tpu.memory_space<hbm>> -> memref<1x1x128x128xf32, #tpu.memory_space<hbm>>
      %dma_start3A_472 = tpu.memref_squeeze %dma_start3A_471 : memref<1x1x128x128xf32, #tpu.memory_space<hbm>> -> memref<128x128xf32, #tpu.memory_space<hbm>>
      %dma_start3A_473 = arith.constant 0 : i32
      %dma_start3A_474 = arith.constant 0 : i32
      %dma_start3A_475 = tpu.memref_slice %arg6[%dma_start3A_460, %dma_start3A_473, %dma_start3A_474] : memref<5x128x128xf32, #tpu.memory_space<vmem>> -> memref<1x128x128xf32, #tpu.memory_space<vmem>>
      %dma_start3A_476 = tpu.memref_squeeze %dma_start3A_475 : memref<1x128x128xf32, #tpu.memory_space<vmem>> -> memref<128x128xf32, #tpu.memory_space<vmem>>
      tpu.enqueue_dma source(%dma_start3A_476 : memref<128x128xf32, #tpu.memory_space<vmem>>) target(%dma_start3A_472 : memref<128x128xf32, #tpu.memory_space<hbm>>) target_semaphore(%arg16 : memref<!tpu.dma_semaphore, #tpu.memory_space<semaphore_mem>>)
      %sub3A_477 = arith.constant 2 : i32
      %sub3A_478 = arith.subi %add3A_447, %sub3A_477 : i32
      %dma_wait3A_479 = arith.constant 2 : i32
      %dma_wait3A_480 = arith.constant 0 : i32
      %dma_wait3A_481 = arith.constant 0 : i32
      %dma_wait3A_482 = tpu.memref_slice %arg6[%dma_wait3A_479, %dma_wait3A_480, %dma_wait3A_481] : memref<5x128x128xf32, #tpu.memory_space<vmem>> -> memref<1x128x128xf32, #tpu.memory_space<vmem>>
      %dma_wait3A_483 = tpu.memref_squeeze %dma_wait3A_482 : memref<1x128x128xf32, #tpu.memory_space<vmem>> -> memref<128x128xf32, #tpu.memory_space<vmem>>
      %dma_wait3A_484 = arith.constant 0 : i32
      %dma_wait3A_485 = arith.constant 0 : i32
      %dma_wait3A_486 = tpu.memref_slice %arg4[%add3A, %sub3A_478, %dma_wait3A_484, %dma_wait3A_485] : memref<32x50x128x128xf32, #tpu.memory_space<hbm>> -> memref<1x1x128x128xf32, #tpu.memory_space<hbm>>
      %dma_wait3A_487 = tpu.memref_squeeze %dma_wait3A_486 : memref<1x1x128x128xf32, #tpu.memory_space<hbm>> -> memref<128x128xf32, #tpu.memory_space<hbm>>
      %dma_wait3A_488 = arith.constant 0 : i32
      %dma_wait3A_489 = arith.constant 0 : i32
      %dma_wait3A_490 = tpu.memref_slice %arg4[%add3A, %sub3A_478, %dma_wait3A_488, %dma_wait3A_489] : memref<32x50x128x128xf32, #tpu.memory_space<hbm>> -> memref<1x1x128x128xf32, #tpu.memory_space<hbm>>
      %dma_wait3A_491 = tpu.memref_squeeze %dma_wait3A_490 : memref<1x1x128x128xf32, #tpu.memory_space<hbm>> -> memref<128x128xf32, #tpu.memory_space<hbm>>
      %dma_wait3A_492 = arith.constant 0 : i32
      %dma_wait3A_493 = arith.constant 0 : i32
      %dma_wait3A_494 = tpu.memref_slice %arg6[%dma_wait3A_479, %dma_wait3A_492, %dma_wait3A_493] : memref<5x128x128xf32, #tpu.memory_space<vmem>> -> memref<1x128x128xf32, #tpu.memory_space<vmem>>
      %dma_wait3A_495 = tpu.memref_squeeze %dma_wait3A_494 : memref<1x128x128xf32, #tpu.memory_space<vmem>> -> memref<128x128xf32, #tpu.memory_space<vmem>>
      tpu.wait_dma2 semaphore(%arg14 : memref<!tpu.dma_semaphore, #tpu.memory_space<semaphore_mem>>) src(%dma_wait3A_495 : memref<128x128xf32, #tpu.memory_space<vmem>>) dst(%dma_wait3A_491 : memref<128x128xf32, #tpu.memory_space<hbm>>)
      %sub3A_496 = arith.constant 2 : i32
      %sub3A_497 = arith.subi %add3A_447, %sub3A_496 : i32
      %add3A_498 = arith.constant 5 : i32
      %add3A_499 = arith.addi %sub3A_497, %add3A_498 : i32
      %dma_start3A_500 = arith.constant 2 : i32
      %dma_start3A_501 = arith.constant 0 : i32
      %dma_start3A_502 = arith.constant 0 : i32
      %dma_start3A_503 = tpu.memref_slice %arg6[%dma_start3A_500, %dma_start3A_501, %dma_start3A_502] : memref<5x128x128xf32, #tpu.memory_space<vmem>> -> memref<1x128x128xf32, #tpu.memory_space<vmem>>
      %dma_start3A_504 = tpu.memref_squeeze %dma_start3A_503 : memref<1x128x128xf32, #tpu.memory_space<vmem>> -> memref<128x128xf32, #tpu.memory_space<vmem>>
      %dma_start3A_505 = arith.constant 0 : i32
      %dma_start3A_506 = tpu.memref_slice %arg5[%add3A_499, %dma_start3A_505] : memref<50x128xi32, #tpu.memory_space<vmem>> -> memref<1x128xi32, #tpu.memory_space<vmem>>
      %dma_start3A_507 = tpu.memref_squeeze %dma_start3A_506 : memref<1x128xi32, #tpu.memory_space<vmem>> -> memref<128xi32, #tpu.memory_space<vmem>>
      %dma_start3A_508 = arith.constant 0 : i32
      %dma_start3A_509 = arith.constant 0 : i32
      %dma_start3A_510 = tpu.memref_slice %arg3[%dma_start3A_508, %dma_start3A_509] : memref<100000x128xf32, #tpu.memory_space<hbm>> -> memref<100000x128xf32, #tpu.memory_space<hbm>>
      tpu.enqueue_indirect_dma source(%dma_start3A_510 : memref<100000x128xf32, #tpu.memory_space<hbm>>) target(%dma_start3A_504 : memref<128x128xf32, #tpu.memory_space<vmem>>) offsets(%dma_start3A_507 : memref<128xi32, #tpu.memory_space<vmem>>) semaphore(%arg9 : memref<!tpu.dma_semaphore, #tpu.memory_space<semaphore_mem>>)
      %mul3A_511 = arith.constant 5 : i32
      %mul3A_512 = arith.muli %scan3A_304, %mul3A_511 : i32
      %add3A_513 = arith.constant 2 : i32
      %add3A_514 = arith.addi %add3A_513, %mul3A_512 : i32
      %add3A_515 = arith.constant 3 : i32
      %add3A_516 = arith.addi %add3A_514, %add3A_515 : i32
      %dma_wait3A_517 = arith.constant 0 : i32
      %dma_wait3A_518 = arith.constant 0 : i32
      %dma_wait3A_519 = arith.constant 0 : i32
      %dma_wait3A_520 = arith.constant 0 : i32
      %dma_wait3A_521 = tpu.memref_slice %arg6[%dma_wait3A_518, %dma_wait3A_519, %dma_wait3A_520] : memref<5x128x128xf32, #tpu.memory_space<vmem>> -> memref<1x128x128xf32, #tpu.memory_space<vmem>>
      %dma_wait3A_522 = tpu.memref_squeeze %dma_wait3A_521 : memref<1x128x128xf32, #tpu.memory_space<vmem>> -> memref<128x128xf32, #tpu.memory_space<vmem>>
      %dma_wait3A_523 = arith.constant 0 : i32
      %dma_wait3A_524 = tpu.memref_slice %arg5[%dma_wait3A_517, %dma_wait3A_523] : memref<50x128xi32, #tpu.memory_space<vmem>> -> memref<1x128xi32, #tpu.memory_space<vmem>>
      %dma_wait3A_525 = tpu.memref_squeeze %dma_wait3A_524 : memref<1x128xi32, #tpu.memory_space<vmem>> -> memref<128xi32, #tpu.memory_space<vmem>>
      %dma_wait3A_526 = arith.constant 0 : i32
      %dma_wait3A_527 = arith.constant 0 : i32
      %dma_wait3A_528 = tpu.memref_slice %arg3[%dma_wait3A_526, %dma_wait3A_527] : memref<100000x128xf32, #tpu.memory_space<hbm>> -> memref<100000x128xf32, #tpu.memory_space<hbm>>
      tpu.wait_indirect_dma semaphore(%arg7 : memref<!tpu.dma_semaphore, #tpu.memory_space<semaphore_mem>>) src(%dma_wait3A_528 : memref<100000x128xf32, #tpu.memory_space<hbm>>) dst(%dma_wait3A_522 : memref<128x128xf32, #tpu.memory_space<vmem>>)
      %dma_start3A_529 = arith.constant 0 : i32
      %dma_start3A_530 = arith.constant 0 : i32
      %dma_start3A_531 = arith.constant 0 : i32
      %dma_start3A_532 = tpu.memref_slice %arg6[%dma_start3A_529, %dma_start3A_530, %dma_start3A_531] : memref<5x128x128xf32, #tpu.memory_space<vmem>> -> memref<1x128x128xf32, #tpu.memory_space<vmem>>
      %dma_start3A_533 = tpu.memref_squeeze %dma_start3A_532 : memref<1x128x128xf32, #tpu.memory_space<vmem>> -> memref<128x128xf32, #tpu.memory_space<vmem>>
      %dma_start3A_534 = arith.constant 0 : i32
      %dma_start3A_535 = arith.constant 0 : i32
      %dma_start3A_536 = tpu.memref_slice %arg4[%add3A, %add3A_516, %dma_start3A_534, %dma_start3A_535] : memref<32x50x128x128xf32, #tpu.memory_space<hbm>> -> memref<1x1x128x128xf32, #tpu.memory_space<hbm>>
      %dma_start3A_537 = tpu.memref_squeeze %dma_start3A_536 : memref<1x1x128x128xf32, #tpu.memory_space<hbm>> -> memref<128x128xf32, #tpu.memory_space<hbm>>
      %dma_start3A_538 = arith.constant 0 : i32
      %dma_start3A_539 = arith.constant 0 : i32
      %dma_start3A_540 = tpu.memref_slice %arg4[%add3A, %add3A_516, %dma_start3A_538, %dma_start3A_539] : memref<32x50x128x128xf32, #tpu.memory_space<hbm>> -> memref<1x1x128x128xf32, #tpu.memory_space<hbm>>
      %dma_start3A_541 = tpu.memref_squeeze %dma_start3A_540 : memref<1x1x128x128xf32, #tpu.memory_space<hbm>> -> memref<128x128xf32, #tpu.memory_space<hbm>>
      %dma_start3A_542 = arith.constant 0 : i32
      %dma_start3A_543 = arith.constant 0 : i32
      %dma_start3A_544 = tpu.memref_slice %arg6[%dma_start3A_529, %dma_start3A_542, %dma_start3A_543] : memref<5x128x128xf32, #tpu.memory_space<vmem>> -> memref<1x128x128xf32, #tpu.memory_space<vmem>>
      %dma_start3A_545 = tpu.memref_squeeze %dma_start3A_544 : memref<1x128x128xf32, #tpu.memory_space<vmem>> -> memref<128x128xf32, #tpu.memory_space<vmem>>
      tpu.enqueue_dma source(%dma_start3A_545 : memref<128x128xf32, #tpu.memory_space<vmem>>) target(%dma_start3A_541 : memref<128x128xf32, #tpu.memory_space<hbm>>) target_semaphore(%arg12 : memref<!tpu.dma_semaphore, #tpu.memory_space<semaphore_mem>>)
      %sub3A_546 = arith.constant 2 : i32
      %sub3A_547 = arith.subi %add3A_516, %sub3A_546 : i32
      %dma_wait3A_548 = arith.constant 3 : i32
      %dma_wait3A_549 = arith.constant 0 : i32
      %dma_wait3A_550 = arith.constant 0 : i32
      %dma_wait3A_551 = tpu.memref_slice %arg6[%dma_wait3A_548, %dma_wait3A_549, %dma_wait3A_550] : memref<5x128x128xf32, #tpu.memory_space<vmem>> -> memref<1x128x128xf32, #tpu.memory_space<vmem>>
      %dma_wait3A_552 = tpu.memref_squeeze %dma_wait3A_551 : memref<1x128x128xf32, #tpu.memory_space<vmem>> -> memref<128x128xf32, #tpu.memory_space<vmem>>
      %dma_wait3A_553 = arith.constant 0 : i32
      %dma_wait3A_554 = arith.constant 0 : i32
      %dma_wait3A_555 = tpu.memref_slice %arg4[%add3A, %sub3A_547, %dma_wait3A_553, %dma_wait3A_554] : memref<32x50x128x128xf32, #tpu.memory_space<hbm>> -> memref<1x1x128x128xf32, #tpu.memory_space<hbm>>
      %dma_wait3A_556 = tpu.memref_squeeze %dma_wait3A_555 : memref<1x1x128x128xf32, #tpu.memory_space<hbm>> -> memref<128x128xf32, #tpu.memory_space<hbm>>
      %dma_wait3A_557 = arith.constant 0 : i32
      %dma_wait3A_558 = arith.constant 0 : i32
      %dma_wait3A_559 = tpu.memref_slice %arg4[%add3A, %sub3A_547, %dma_wait3A_557, %dma_wait3A_558] : memref<32x50x128x128xf32, #tpu.memory_space<hbm>> -> memref<1x1x128x128xf32, #tpu.memory_space<hbm>>
      %dma_wait3A_560 = tpu.memref_squeeze %dma_wait3A_559 : memref<1x1x128x128xf32, #tpu.memory_space<hbm>> -> memref<128x128xf32, #tpu.memory_space<hbm>>
      %dma_wait3A_561 = arith.constant 0 : i32
      %dma_wait3A_562 = arith.constant 0 : i32
      %dma_wait3A_563 = tpu.memref_slice %arg6[%dma_wait3A_548, %dma_wait3A_561, %dma_wait3A_562] : memref<5x128x128xf32, #tpu.memory_space<vmem>> -> memref<1x128x128xf32, #tpu.memory_space<vmem>>
      %dma_wait3A_564 = tpu.memref_squeeze %dma_wait3A_563 : memref<1x128x128xf32, #tpu.memory_space<vmem>> -> memref<128x128xf32, #tpu.memory_space<vmem>>
      tpu.wait_dma2 semaphore(%arg15 : memref<!tpu.dma_semaphore, #tpu.memory_space<semaphore_mem>>) src(%dma_wait3A_564 : memref<128x128xf32, #tpu.memory_space<vmem>>) dst(%dma_wait3A_560 : memref<128x128xf32, #tpu.memory_space<hbm>>)
      %sub3A_565 = arith.constant 2 : i32
      %sub3A_566 = arith.subi %add3A_516, %sub3A_565 : i32
      %add3A_567 = arith.constant 5 : i32
      %add3A_568 = arith.addi %sub3A_566, %add3A_567 : i32
      %dma_start3A_569 = arith.constant 3 : i32
      %dma_start3A_570 = arith.constant 0 : i32
      %dma_start3A_571 = arith.constant 0 : i32
      %dma_start3A_572 = tpu.memref_slice %arg6[%dma_start3A_569, %dma_start3A_570, %dma_start3A_571] : memref<5x128x128xf32, #tpu.memory_space<vmem>> -> memref<1x128x128xf32, #tpu.memory_space<vmem>>
      %dma_start3A_573 = tpu.memref_squeeze %dma_start3A_572 : memref<1x128x128xf32, #tpu.memory_space<vmem>> -> memref<128x128xf32, #tpu.memory_space<vmem>>
      %dma_start3A_574 = arith.constant 0 : i32
      %dma_start3A_575 = tpu.memref_slice %arg5[%add3A_568, %dma_start3A_574] : memref<50x128xi32, #tpu.memory_space<vmem>> -> memref<1x128xi32, #tpu.memory_space<vmem>>
      %dma_start3A_576 = tpu.memref_squeeze %dma_start3A_575 : memref<1x128xi32, #tpu.memory_space<vmem>> -> memref<128xi32, #tpu.memory_space<vmem>>
      %dma_start3A_577 = arith.constant 0 : i32
      %dma_start3A_578 = arith.constant 0 : i32
      %dma_start3A_579 = tpu.memref_slice %arg3[%dma_start3A_577, %dma_start3A_578] : memref<100000x128xf32, #tpu.memory_space<hbm>> -> memref<100000x128xf32, #tpu.memory_space<hbm>>
      tpu.enqueue_indirect_dma source(%dma_start3A_579 : memref<100000x128xf32, #tpu.memory_space<hbm>>) target(%dma_start3A_573 : memref<128x128xf32, #tpu.memory_space<vmem>>) offsets(%dma_start3A_576 : memref<128xi32, #tpu.memory_space<vmem>>) semaphore(%arg10 : memref<!tpu.dma_semaphore, #tpu.memory_space<semaphore_mem>>)
      %mul3A_580 = arith.constant 5 : i32
      %mul3A_581 = arith.muli %scan3A_304, %mul3A_580 : i32
      %add3A_582 = arith.constant 2 : i32
      %add3A_583 = arith.addi %add3A_582, %mul3A_581 : i32
      %add3A_584 = arith.constant 4 : i32
      %add3A_585 = arith.addi %add3A_583, %add3A_584 : i32
      %dma_wait3A_586 = arith.constant 0 : i32
      %dma_wait3A_587 = arith.constant 1 : i32
      %dma_wait3A_588 = arith.constant 0 : i32
      %dma_wait3A_589 = arith.constant 0 : i32
      %dma_wait3A_590 = tpu.memref_slice %arg6[%dma_wait3A_587, %dma_wait3A_588, %dma_wait3A_589] : memref<5x128x128xf32, #tpu.memory_space<vmem>> -> memref<1x128x128xf32, #tpu.memory_space<vmem>>
      %dma_wait3A_591 = tpu.memref_squeeze %dma_wait3A_590 : memref<1x128x128xf32, #tpu.memory_space<vmem>> -> memref<128x128xf32, #tpu.memory_space<vmem>>
      %dma_wait3A_592 = arith.constant 0 : i32
      %dma_wait3A_593 = tpu.memref_slice %arg5[%dma_wait3A_586, %dma_wait3A_592] : memref<50x128xi32, #tpu.memory_space<vmem>> -> memref<1x128xi32, #tpu.memory_space<vmem>>
      %dma_wait3A_594 = tpu.memref_squeeze %dma_wait3A_593 : memref<1x128xi32, #tpu.memory_space<vmem>> -> memref<128xi32, #tpu.memory_space<vmem>>
      %dma_wait3A_595 = arith.constant 0 : i32
      %dma_wait3A_596 = arith.constant 0 : i32
      %dma_wait3A_597 = tpu.memref_slice %arg3[%dma_wait3A_595, %dma_wait3A_596] : memref<100000x128xf32, #tpu.memory_space<hbm>> -> memref<100000x128xf32, #tpu.memory_space<hbm>>
      tpu.wait_indirect_dma semaphore(%arg8 : memref<!tpu.dma_semaphore, #tpu.memory_space<semaphore_mem>>) src(%dma_wait3A_597 : memref<100000x128xf32, #tpu.memory_space<hbm>>) dst(%dma_wait3A_591 : memref<128x128xf32, #tpu.memory_space<vmem>>)
      %dma_start3A_598 = arith.constant 1 : i32
      %dma_start3A_599 = arith.constant 0 : i32
      %dma_start3A_600 = arith.constant 0 : i32
      %dma_start3A_601 = tpu.memref_slice %arg6[%dma_start3A_598, %dma_start3A_599, %dma_start3A_600] : memref<5x128x128xf32, #tpu.memory_space<vmem>> -> memref<1x128x128xf32, #tpu.memory_space<vmem>>
      %dma_start3A_602 = tpu.memref_squeeze %dma_start3A_601 : memref<1x128x128xf32, #tpu.memory_space<vmem>> -> memref<128x128xf32, #tpu.memory_space<vmem>>
      %dma_start3A_603 = arith.constant 0 : i32
      %dma_start3A_604 = arith.constant 0 : i32
      %dma_start3A_605 = tpu.memref_slice %arg4[%add3A, %add3A_585, %dma_start3A_603, %dma_start3A_604] : memref<32x50x128x128xf32, #tpu.memory_space<hbm>> -> memref<1x1x128x128xf32, #tpu.memory_space<hbm>>
      %dma_start3A_606 = tpu.memref_squeeze %dma_start3A_605 : memref<1x1x128x128xf32, #tpu.memory_space<hbm>> -> memref<128x128xf32, #tpu.memory_space<hbm>>
      %dma_start3A_607 = arith.constant 0 : i32
      %dma_start3A_608 = arith.constant 0 : i32
      %dma_start3A_609 = tpu.memref_slice %arg4[%add3A, %add3A_585, %dma_start3A_607, %dma_start3A_608] : memref<32x50x128x128xf32, #tpu.memory_space<hbm>> -> memref<1x1x128x128xf32, #tpu.memory_space<hbm>>
      %dma_start3A_610 = tpu.memref_squeeze %dma_start3A_609 : memref<1x1x128x128xf32, #tpu.memory_space<hbm>> -> memref<128x128xf32, #tpu.memory_space<hbm>>
      %dma_start3A_611 = arith.constant 0 : i32
      %dma_start3A_612 = arith.constant 0 : i32
      %dma_start3A_613 = tpu.memref_slice %arg6[%dma_start3A_598, %dma_start3A_611, %dma_start3A_612] : memref<5x128x128xf32, #tpu.memory_space<vmem>> -> memref<1x128x128xf32, #tpu.memory_space<vmem>>
      %dma_start3A_614 = tpu.memref_squeeze %dma_start3A_613 : memref<1x128x128xf32, #tpu.memory_space<vmem>> -> memref<128x128xf32, #tpu.memory_space<vmem>>
      tpu.enqueue_dma source(%dma_start3A_614 : memref<128x128xf32, #tpu.memory_space<vmem>>) target(%dma_start3A_610 : memref<128x128xf32, #tpu.memory_space<hbm>>) target_semaphore(%arg13 : memref<!tpu.dma_semaphore, #tpu.memory_space<semaphore_mem>>)
      %sub3A_615 = arith.constant 2 : i32
      %sub3A_616 = arith.subi %add3A_585, %sub3A_615 : i32
      %dma_wait3A_617 = arith.constant 4 : i32
      %dma_wait3A_618 = arith.constant 0 : i32
      %dma_wait3A_619 = arith.constant 0 : i32
      %dma_wait3A_620 = tpu.memref_slice %arg6[%dma_wait3A_617, %dma_wait3A_618, %dma_wait3A_619] : memref<5x128x128xf32, #tpu.memory_space<vmem>> -> memref<1x128x128xf32, #tpu.memory_space<vmem>>
      %dma_wait3A_621 = tpu.memref_squeeze %dma_wait3A_620 : memref<1x128x128xf32, #tpu.memory_space<vmem>> -> memref<128x128xf32, #tpu.memory_space<vmem>>
      %dma_wait3A_622 = arith.constant 0 : i32
      %dma_wait3A_623 = arith.constant 0 : i32
      %dma_wait3A_624 = tpu.memref_slice %arg4[%add3A, %sub3A_616, %dma_wait3A_622, %dma_wait3A_623] : memref<32x50x128x128xf32, #tpu.memory_space<hbm>> -> memref<1x1x128x128xf32, #tpu.memory_space<hbm>>
      %dma_wait3A_625 = tpu.memref_squeeze %dma_wait3A_624 : memref<1x1x128x128xf32, #tpu.memory_space<hbm>> -> memref<128x128xf32, #tpu.memory_space<hbm>>
      %dma_wait3A_626 = arith.constant 0 : i32
      %dma_wait3A_627 = arith.constant 0 : i32
      %dma_wait3A_628 = tpu.memref_slice %arg4[%add3A, %sub3A_616, %dma_wait3A_626, %dma_wait3A_627] : memref<32x50x128x128xf32, #tpu.memory_space<hbm>> -> memref<1x1x128x128xf32, #tpu.memory_space<hbm>>
      %dma_wait3A_629 = tpu.memref_squeeze %dma_wait3A_628 : memref<1x1x128x128xf32, #tpu.memory_space<hbm>> -> memref<128x128xf32, #tpu.memory_space<hbm>>
      %dma_wait3A_630 = arith.constant 0 : i32
      %dma_wait3A_631 = arith.constant 0 : i32
      %dma_wait3A_632 = tpu.memref_slice %arg6[%dma_wait3A_617, %dma_wait3A_630, %dma_wait3A_631] : memref<5x128x128xf32, #tpu.memory_space<vmem>> -> memref<1x128x128xf32, #tpu.memory_space<vmem>>
      %dma_wait3A_633 = tpu.memref_squeeze %dma_wait3A_632 : memref<1x128x128xf32, #tpu.memory_space<vmem>> -> memref<128x128xf32, #tpu.memory_space<vmem>>
      tpu.wait_dma2 semaphore(%arg16 : memref<!tpu.dma_semaphore, #tpu.memory_space<semaphore_mem>>) src(%dma_wait3A_633 : memref<128x128xf32, #tpu.memory_space<vmem>>) dst(%dma_wait3A_629 : memref<128x128xf32, #tpu.memory_space<hbm>>)
      %sub3A_634 = arith.constant 2 : i32
      %sub3A_635 = arith.subi %add3A_585, %sub3A_634 : i32
      %add3A_636 = arith.constant 5 : i32
      %add3A_637 = arith.addi %sub3A_635, %add3A_636 : i32
      %dma_start3A_638 = arith.constant 4 : i32
      %dma_start3A_639 = arith.constant 0 : i32
      %dma_start3A_640 = arith.constant 0 : i32
      %dma_start3A_641 = tpu.memref_slice %arg6[%dma_start3A_638, %dma_start3A_639, %dma_start3A_640] : memref<5x128x128xf32, #tpu.memory_space<vmem>> -> memref<1x128x128xf32, #tpu.memory_space<vmem>>
      %dma_start3A_642 = tpu.memref_squeeze %dma_start3A_641 : memref<1x128x128xf32, #tpu.memory_space<vmem>> -> memref<128x128xf32, #tpu.memory_space<vmem>>
      %dma_start3A_643 = arith.constant 0 : i32
      %dma_start3A_644 = tpu.memref_slice %arg5[%add3A_637, %dma_start3A_643] : memref<50x128xi32, #tpu.memory_space<vmem>> -> memref<1x128xi32, #tpu.memory_space<vmem>>
      %dma_start3A_645 = tpu.memref_squeeze %dma_start3A_644 : memref<1x128xi32, #tpu.memory_space<vmem>> -> memref<128xi32, #tpu.memory_space<vmem>>
      %dma_start3A_646 = arith.constant 0 : i32
      %dma_start3A_647 = arith.constant 0 : i32
      %dma_start3A_648 = tpu.memref_slice %arg3[%dma_start3A_646, %dma_start3A_647] : memref<100000x128xf32, #tpu.memory_space<hbm>> -> memref<100000x128xf32, #tpu.memory_space<hbm>>
      tpu.enqueue_indirect_dma source(%dma_start3A_648 : memref<100000x128xf32, #tpu.memory_space<hbm>>) target(%dma_start3A_642 : memref<128x128xf32, #tpu.memory_space<vmem>>) offsets(%dma_start3A_645 : memref<128xi32, #tpu.memory_space<vmem>>) semaphore(%arg11 : memref<!tpu.dma_semaphore, #tpu.memory_space<semaphore_mem>>)
    }
    %scan3A_123 = arith.constant 9 : i32
    %dma_wait3A_124 = arith.constant 0 : i32
    %dma_wait3A_125 = arith.constant 2 : i32
    %dma_wait3A_126 = arith.constant 0 : i32
    %dma_wait3A_127 = arith.constant 0 : i32
    %dma_wait3A_128 = tpu.memref_slice %arg6[%dma_wait3A_125, %dma_wait3A_126, %dma_wait3A_127] : memref<5x128x128xf32, #tpu.memory_space<vmem>> -> memref<1x128x128xf32, #tpu.memory_space<vmem>>
    %dma_wait3A_129 = tpu.memref_squeeze %dma_wait3A_128 : memref<1x128x128xf32, #tpu.memory_space<vmem>> -> memref<128x128xf32, #tpu.memory_space<vmem>>
    %dma_wait3A_130 = arith.constant 0 : i32
    %dma_wait3A_131 = tpu.memref_slice %arg5[%dma_wait3A_124, %dma_wait3A_130] : memref<50x128xi32, #tpu.memory_space<vmem>> -> memref<1x128xi32, #tpu.memory_space<vmem>>
    %dma_wait3A_132 = tpu.memref_squeeze %dma_wait3A_131 : memref<1x128xi32, #tpu.memory_space<vmem>> -> memref<128xi32, #tpu.memory_space<vmem>>
    %dma_wait3A_133 = arith.constant 0 : i32
    %dma_wait3A_134 = arith.constant 0 : i32
    %dma_wait3A_135 = tpu.memref_slice %arg3[%dma_wait3A_133, %dma_wait3A_134] : memref<100000x128xf32, #tpu.memory_space<hbm>> -> memref<100000x128xf32, #tpu.memory_space<hbm>>
    tpu.wait_indirect_dma semaphore(%arg9 : memref<!tpu.dma_semaphore, #tpu.memory_space<semaphore_mem>>) src(%dma_wait3A_135 : memref<100000x128xf32, #tpu.memory_space<hbm>>) dst(%dma_wait3A_129 : memref<128x128xf32, #tpu.memory_space<vmem>>)
    %dma_start3A_136 = arith.constant 2 : i32
    %dma_start3A_137 = arith.constant 47 : i32
    %dma_start3A_138 = arith.constant 0 : i32
    %dma_start3A_139 = arith.constant 0 : i32
    %dma_start3A_140 = tpu.memref_slice %arg6[%dma_start3A_136, %dma_start3A_138, %dma_start3A_139] : memref<5x128x128xf32, #tpu.memory_space<vmem>> -> memref<1x128x128xf32, #tpu.memory_space<vmem>>
    %dma_start3A_141 = tpu.memref_squeeze %dma_start3A_140 : memref<1x128x128xf32, #tpu.memory_space<vmem>> -> memref<128x128xf32, #tpu.memory_space<vmem>>
    %dma_start3A_142 = arith.constant 0 : i32
    %dma_start3A_143 = arith.constant 0 : i32
    %dma_start3A_144 = tpu.memref_slice %arg4[%add3A, %dma_start3A_137, %dma_start3A_142, %dma_start3A_143] : memref<32x50x128x128xf32, #tpu.memory_space<hbm>> -> memref<1x1x128x128xf32, #tpu.memory_space<hbm>>
    %dma_start3A_145 = tpu.memref_squeeze %dma_start3A_144 : memref<1x1x128x128xf32, #tpu.memory_space<hbm>> -> memref<128x128xf32, #tpu.memory_space<hbm>>
    %dma_start3A_146 = arith.constant 0 : i32
    %dma_start3A_147 = arith.constant 0 : i32
    %dma_start3A_148 = tpu.memref_slice %arg4[%add3A, %dma_start3A_137, %dma_start3A_146, %dma_start3A_147] : memref<32x50x128x128xf32, #tpu.memory_space<hbm>> -> memref<1x1x128x128xf32, #tpu.memory_space<hbm>>
    %dma_start3A_149 = tpu.memref_squeeze %dma_start3A_148 : memref<1x1x128x128xf32, #tpu.memory_space<hbm>> -> memref<128x128xf32, #tpu.memory_space<hbm>>
    %dma_start3A_150 = arith.constant 0 : i32
    %dma_start3A_151 = arith.constant 0 : i32
    %dma_start3A_152 = tpu.memref_slice %arg6[%dma_start3A_136, %dma_start3A_150, %dma_start3A_151] : memref<5x128x128xf32, #tpu.memory_space<vmem>> -> memref<1x128x128xf32, #tpu.memory_space<vmem>>
    %dma_start3A_153 = tpu.memref_squeeze %dma_start3A_152 : memref<1x128x128xf32, #tpu.memory_space<vmem>> -> memref<128x128xf32, #tpu.memory_space<vmem>>
    tpu.enqueue_dma source(%dma_start3A_153 : memref<128x128xf32, #tpu.memory_space<vmem>>) target(%dma_start3A_149 : memref<128x128xf32, #tpu.memory_space<hbm>>) target_semaphore(%arg14 : memref<!tpu.dma_semaphore, #tpu.memory_space<semaphore_mem>>)
    %dma_wait3A_154 = arith.constant 0 : i32
    %dma_wait3A_155 = arith.constant 45 : i32
    %dma_wait3A_156 = arith.constant 0 : i32
    %dma_wait3A_157 = arith.constant 0 : i32
    %dma_wait3A_158 = tpu.memref_slice %arg6[%dma_wait3A_154, %dma_wait3A_156, %dma_wait3A_157] : memref<5x128x128xf32, #tpu.memory_space<vmem>> -> memref<1x128x128xf32, #tpu.memory_space<vmem>>
    %dma_wait3A_159 = tpu.memref_squeeze %dma_wait3A_158 : memref<1x128x128xf32, #tpu.memory_space<vmem>> -> memref<128x128xf32, #tpu.memory_space<vmem>>
    %dma_wait3A_160 = arith.constant 0 : i32
    %dma_wait3A_161 = arith.constant 0 : i32
    %dma_wait3A_162 = tpu.memref_slice %arg4[%add3A, %dma_wait3A_155, %dma_wait3A_160, %dma_wait3A_161] : memref<32x50x128x128xf32, #tpu.memory_space<hbm>> -> memref<1x1x128x128xf32, #tpu.memory_space<hbm>>
    %dma_wait3A_163 = tpu.memref_squeeze %dma_wait3A_162 : memref<1x1x128x128xf32, #tpu.memory_space<hbm>> -> memref<128x128xf32, #tpu.memory_space<hbm>>
    %dma_wait3A_164 = arith.constant 0 : i32
    %dma_wait3A_165 = arith.constant 0 : i32
    %dma_wait3A_166 = tpu.memref_slice %arg4[%add3A, %dma_wait3A_155, %dma_wait3A_164, %dma_wait3A_165] : memref<32x50x128x128xf32, #tpu.memory_space<hbm>> -> memref<1x1x128x128xf32, #tpu.memory_space<hbm>>
    %dma_wait3A_167 = tpu.memref_squeeze %dma_wait3A_166 : memref<1x1x128x128xf32, #tpu.memory_space<hbm>> -> memref<128x128xf32, #tpu.memory_space<hbm>>
    %dma_wait3A_168 = arith.constant 0 : i32
    %dma_wait3A_169 = arith.constant 0 : i32
    %dma_wait3A_170 = tpu.memref_slice %arg6[%dma_wait3A_154, %dma_wait3A_168, %dma_wait3A_169] : memref<5x128x128xf32, #tpu.memory_space<vmem>> -> memref<1x128x128xf32, #tpu.memory_space<vmem>>
    %dma_wait3A_171 = tpu.memref_squeeze %dma_wait3A_170 : memref<1x128x128xf32, #tpu.memory_space<vmem>> -> memref<128x128xf32, #tpu.memory_space<vmem>>
    tpu.wait_dma2 semaphore(%arg12 : memref<!tpu.dma_semaphore, #tpu.memory_space<semaphore_mem>>) src(%dma_wait3A_171 : memref<128x128xf32, #tpu.memory_space<vmem>>) dst(%dma_wait3A_167 : memref<128x128xf32, #tpu.memory_space<hbm>>)
    %dma_wait3A_172 = arith.constant 0 : i32
    %dma_wait3A_173 = arith.constant 3 : i32
    %dma_wait3A_174 = arith.constant 0 : i32
    %dma_wait3A_175 = arith.constant 0 : i32
    %dma_wait3A_176 = tpu.memref_slice %arg6[%dma_wait3A_173, %dma_wait3A_174, %dma_wait3A_175] : memref<5x128x128xf32, #tpu.memory_space<vmem>> -> memref<1x128x128xf32, #tpu.memory_space<vmem>>
    %dma_wait3A_177 = tpu.memref_squeeze %dma_wait3A_176 : memref<1x128x128xf32, #tpu.memory_space<vmem>> -> memref<128x128xf32, #tpu.memory_space<vmem>>
    %dma_wait3A_178 = arith.constant 0 : i32
    %dma_wait3A_179 = tpu.memref_slice %arg5[%dma_wait3A_172, %dma_wait3A_178] : memref<50x128xi32, #tpu.memory_space<vmem>> -> memref<1x128xi32, #tpu.memory_space<vmem>>
    %dma_wait3A_180 = tpu.memref_squeeze %dma_wait3A_179 : memref<1x128xi32, #tpu.memory_space<vmem>> -> memref<128xi32, #tpu.memory_space<vmem>>
    %dma_wait3A_181 = arith.constant 0 : i32
    %dma_wait3A_182 = arith.constant 0 : i32
    %dma_wait3A_183 = tpu.memref_slice %arg3[%dma_wait3A_181, %dma_wait3A_182] : memref<100000x128xf32, #tpu.memory_space<hbm>> -> memref<100000x128xf32, #tpu.memory_space<hbm>>
    tpu.wait_indirect_dma semaphore(%arg10 : memref<!tpu.dma_semaphore, #tpu.memory_space<semaphore_mem>>) src(%dma_wait3A_183 : memref<100000x128xf32, #tpu.memory_space<hbm>>) dst(%dma_wait3A_177 : memref<128x128xf32, #tpu.memory_space<vmem>>)
    %dma_start3A_184 = arith.constant 3 : i32
    %dma_start3A_185 = arith.constant 48 : i32
    %dma_start3A_186 = arith.constant 0 : i32
    %dma_start3A_187 = arith.constant 0 : i32
    %dma_start3A_188 = tpu.memref_slice %arg6[%dma_start3A_184, %dma_start3A_186, %dma_start3A_187] : memref<5x128x128xf32, #tpu.memory_space<vmem>> -> memref<1x128x128xf32, #tpu.memory_space<vmem>>
    %dma_start3A_189 = tpu.memref_squeeze %dma_start3A_188 : memref<1x128x128xf32, #tpu.memory_space<vmem>> -> memref<128x128xf32, #tpu.memory_space<vmem>>
    %dma_start3A_190 = arith.constant 0 : i32
    %dma_start3A_191 = arith.constant 0 : i32
    %dma_start3A_192 = tpu.memref_slice %arg4[%add3A, %dma_start3A_185, %dma_start3A_190, %dma_start3A_191] : memref<32x50x128x128xf32, #tpu.memory_space<hbm>> -> memref<1x1x128x128xf32, #tpu.memory_space<hbm>>
    %dma_start3A_193 = tpu.memref_squeeze %dma_start3A_192 : memref<1x1x128x128xf32, #tpu.memory_space<hbm>> -> memref<128x128xf32, #tpu.memory_space<hbm>>
    %dma_start3A_194 = arith.constant 0 : i32
    %dma_start3A_195 = arith.constant 0 : i32
    %dma_start3A_196 = tpu.memref_slice %arg4[%add3A, %dma_start3A_185, %dma_start3A_194, %dma_start3A_195] : memref<32x50x128x128xf32, #tpu.memory_space<hbm>> -> memref<1x1x128x128xf32, #tpu.memory_space<hbm>>
    %dma_start3A_197 = tpu.memref_squeeze %dma_start3A_196 : memref<1x1x128x128xf32, #tpu.memory_space<hbm>> -> memref<128x128xf32, #tpu.memory_space<hbm>>
    %dma_start3A_198 = arith.constant 0 : i32
    %dma_start3A_199 = arith.constant 0 : i32
    %dma_start3A_200 = tpu.memref_slice %arg6[%dma_start3A_184, %dma_start3A_198, %dma_start3A_199] : memref<5x128x128xf32, #tpu.memory_space<vmem>> -> memref<1x128x128xf32, #tpu.memory_space<vmem>>
    %dma_start3A_201 = tpu.memref_squeeze %dma_start3A_200 : memref<1x128x128xf32, #tpu.memory_space<vmem>> -> memref<128x128xf32, #tpu.memory_space<vmem>>
    tpu.enqueue_dma source(%dma_start3A_201 : memref<128x128xf32, #tpu.memory_space<vmem>>) target(%dma_start3A_197 : memref<128x128xf32, #tpu.memory_space<hbm>>) target_semaphore(%arg15 : memref<!tpu.dma_semaphore, #tpu.memory_space<semaphore_mem>>)
    %dma_wait3A_202 = arith.constant 1 : i32
    %dma_wait3A_203 = arith.constant 46 : i32
    %dma_wait3A_204 = arith.constant 0 : i32
    %dma_wait3A_205 = arith.constant 0 : i32
    %dma_wait3A_206 = tpu.memref_slice %arg6[%dma_wait3A_202, %dma_wait3A_204, %dma_wait3A_205] : memref<5x128x128xf32, #tpu.memory_space<vmem>> -> memref<1x128x128xf32, #tpu.memory_space<vmem>>
    %dma_wait3A_207 = tpu.memref_squeeze %dma_wait3A_206 : memref<1x128x128xf32, #tpu.memory_space<vmem>> -> memref<128x128xf32, #tpu.memory_space<vmem>>
    %dma_wait3A_208 = arith.constant 0 : i32
    %dma_wait3A_209 = arith.constant 0 : i32
    %dma_wait3A_210 = tpu.memref_slice %arg4[%add3A, %dma_wait3A_203, %dma_wait3A_208, %dma_wait3A_209] : memref<32x50x128x128xf32, #tpu.memory_space<hbm>> -> memref<1x1x128x128xf32, #tpu.memory_space<hbm>>
    %dma_wait3A_211 = tpu.memref_squeeze %dma_wait3A_210 : memref<1x1x128x128xf32, #tpu.memory_space<hbm>> -> memref<128x128xf32, #tpu.memory_space<hbm>>
    %dma_wait3A_212 = arith.constant 0 : i32
    %dma_wait3A_213 = arith.constant 0 : i32
    %dma_wait3A_214 = tpu.memref_slice %arg4[%add3A, %dma_wait3A_203, %dma_wait3A_212, %dma_wait3A_213] : memref<32x50x128x128xf32, #tpu.memory_space<hbm>> -> memref<1x1x128x128xf32, #tpu.memory_space<hbm>>
    %dma_wait3A_215 = tpu.memref_squeeze %dma_wait3A_214 : memref<1x1x128x128xf32, #tpu.memory_space<hbm>> -> memref<128x128xf32, #tpu.memory_space<hbm>>
    %dma_wait3A_216 = arith.constant 0 : i32
    %dma_wait3A_217 = arith.constant 0 : i32
    %dma_wait3A_218 = tpu.memref_slice %arg6[%dma_wait3A_202, %dma_wait3A_216, %dma_wait3A_217] : memref<5x128x128xf32, #tpu.memory_space<vmem>> -> memref<1x128x128xf32, #tpu.memory_space<vmem>>
    %dma_wait3A_219 = tpu.memref_squeeze %dma_wait3A_218 : memref<1x128x128xf32, #tpu.memory_space<vmem>> -> memref<128x128xf32, #tpu.memory_space<vmem>>
    tpu.wait_dma2 semaphore(%arg13 : memref<!tpu.dma_semaphore, #tpu.memory_space<semaphore_mem>>) src(%dma_wait3A_219 : memref<128x128xf32, #tpu.memory_space<vmem>>) dst(%dma_wait3A_215 : memref<128x128xf32, #tpu.memory_space<hbm>>)
    %dma_wait3A_220 = arith.constant 0 : i32
    %dma_wait3A_221 = arith.constant 4 : i32
    %dma_wait3A_222 = arith.constant 0 : i32
    %dma_wait3A_223 = arith.constant 0 : i32
    %dma_wait3A_224 = tpu.memref_slice %arg6[%dma_wait3A_221, %dma_wait3A_222, %dma_wait3A_223] : memref<5x128x128xf32, #tpu.memory_space<vmem>> -> memref<1x128x128xf32, #tpu.memory_space<vmem>>
    %dma_wait3A_225 = tpu.memref_squeeze %dma_wait3A_224 : memref<1x128x128xf32, #tpu.memory_space<vmem>> -> memref<128x128xf32, #tpu.memory_space<vmem>>
    %dma_wait3A_226 = arith.constant 0 : i32
    %dma_wait3A_227 = tpu.memref_slice %arg5[%dma_wait3A_220, %dma_wait3A_226] : memref<50x128xi32, #tpu.memory_space<vmem>> -> memref<1x128xi32, #tpu.memory_space<vmem>>
    %dma_wait3A_228 = tpu.memref_squeeze %dma_wait3A_227 : memref<1x128xi32, #tpu.memory_space<vmem>> -> memref<128xi32, #tpu.memory_space<vmem>>
    %dma_wait3A_229 = arith.constant 0 : i32
    %dma_wait3A_230 = arith.constant 0 : i32
    %dma_wait3A_231 = tpu.memref_slice %arg3[%dma_wait3A_229, %dma_wait3A_230] : memref<100000x128xf32, #tpu.memory_space<hbm>> -> memref<100000x128xf32, #tpu.memory_space<hbm>>
    tpu.wait_indirect_dma semaphore(%arg11 : memref<!tpu.dma_semaphore, #tpu.memory_space<semaphore_mem>>) src(%dma_wait3A_231 : memref<100000x128xf32, #tpu.memory_space<hbm>>) dst(%dma_wait3A_225 : memref<128x128xf32, #tpu.memory_space<vmem>>)
    %dma_start3A_232 = arith.constant 4 : i32
    %dma_start3A_233 = arith.constant 49 : i32
    %dma_start3A_234 = arith.constant 0 : i32
    %dma_start3A_235 = arith.constant 0 : i32
    %dma_start3A_236 = tpu.memref_slice %arg6[%dma_start3A_232, %dma_start3A_234, %dma_start3A_235] : memref<5x128x128xf32, #tpu.memory_space<vmem>> -> memref<1x128x128xf32, #tpu.memory_space<vmem>>
    %dma_start3A_237 = tpu.memref_squeeze %dma_start3A_236 : memref<1x128x128xf32, #tpu.memory_space<vmem>> -> memref<128x128xf32, #tpu.memory_space<vmem>>
    %dma_start3A_238 = arith.constant 0 : i32
    %dma_start3A_239 = arith.constant 0 : i32
    %dma_start3A_240 = tpu.memref_slice %arg4[%add3A, %dma_start3A_233, %dma_start3A_238, %dma_start3A_239] : memref<32x50x128x128xf32, #tpu.memory_space<hbm>> -> memref<1x1x128x128xf32, #tpu.memory_space<hbm>>
    %dma_start3A_241 = tpu.memref_squeeze %dma_start3A_240 : memref<1x1x128x128xf32, #tpu.memory_space<hbm>> -> memref<128x128xf32, #tpu.memory_space<hbm>>
    %dma_start3A_242 = arith.constant 0 : i32
    %dma_start3A_243 = arith.constant 0 : i32
    %dma_start3A_244 = tpu.memref_slice %arg4[%add3A, %dma_start3A_233, %dma_start3A_242, %dma_start3A_243] : memref<32x50x128x128xf32, #tpu.memory_space<hbm>> -> memref<1x1x128x128xf32, #tpu.memory_space<hbm>>
    %dma_start3A_245 = tpu.memref_squeeze %dma_start3A_244 : memref<1x1x128x128xf32, #tpu.memory_space<hbm>> -> memref<128x128xf32, #tpu.memory_space<hbm>>
    %dma_start3A_246 = arith.constant 0 : i32
    %dma_start3A_247 = arith.constant 0 : i32
    %dma_start3A_248 = tpu.memref_slice %arg6[%dma_start3A_232, %dma_start3A_246, %dma_start3A_247] : memref<5x128x128xf32, #tpu.memory_space<vmem>> -> memref<1x128x128xf32, #tpu.memory_space<vmem>>
    %dma_start3A_249 = tpu.memref_squeeze %dma_start3A_248 : memref<1x128x128xf32, #tpu.memory_space<vmem>> -> memref<128x128xf32, #tpu.memory_space<vmem>>
    tpu.enqueue_dma source(%dma_start3A_249 : memref<128x128xf32, #tpu.memory_space<vmem>>) target(%dma_start3A_245 : memref<128x128xf32, #tpu.memory_space<hbm>>) target_semaphore(%arg16 : memref<!tpu.dma_semaphore, #tpu.memory_space<semaphore_mem>>)
    %dma_wait3A_250 = arith.constant 2 : i32
    %dma_wait3A_251 = arith.constant 47 : i32
    %dma_wait3A_252 = arith.constant 0 : i32
    %dma_wait3A_253 = arith.constant 0 : i32
    %dma_wait3A_254 = tpu.memref_slice %arg6[%dma_wait3A_250, %dma_wait3A_252, %dma_wait3A_253] : memref<5x128x128xf32, #tpu.memory_space<vmem>> -> memref<1x128x128xf32, #tpu.memory_space<vmem>>
    %dma_wait3A_255 = tpu.memref_squeeze %dma_wait3A_254 : memref<1x128x128xf32, #tpu.memory_space<vmem>> -> memref<128x128xf32, #tpu.memory_space<vmem>>
    %dma_wait3A_256 = arith.constant 0 : i32
    %dma_wait3A_257 = arith.constant 0 : i32
    %dma_wait3A_258 = tpu.memref_slice %arg4[%add3A, %dma_wait3A_251, %dma_wait3A_256, %dma_wait3A_257] : memref<32x50x128x128xf32, #tpu.memory_space<hbm>> -> memref<1x1x128x128xf32, #tpu.memory_space<hbm>>
    %dma_wait3A_259 = tpu.memref_squeeze %dma_wait3A_258 : memref<1x1x128x128xf32, #tpu.memory_space<hbm>> -> memref<128x128xf32, #tpu.memory_space<hbm>>
    %dma_wait3A_260 = arith.constant 0 : i32
    %dma_wait3A_261 = arith.constant 0 : i32
    %dma_wait3A_262 = tpu.memref_slice %arg4[%add3A, %dma_wait3A_251, %dma_wait3A_260, %dma_wait3A_261] : memref<32x50x128x128xf32, #tpu.memory_space<hbm>> -> memref<1x1x128x128xf32, #tpu.memory_space<hbm>>
    %dma_wait3A_263 = tpu.memref_squeeze %dma_wait3A_262 : memref<1x1x128x128xf32, #tpu.memory_space<hbm>> -> memref<128x128xf32, #tpu.memory_space<hbm>>
    %dma_wait3A_264 = arith.constant 0 : i32
    %dma_wait3A_265 = arith.constant 0 : i32
    %dma_wait3A_266 = tpu.memref_slice %arg6[%dma_wait3A_250, %dma_wait3A_264, %dma_wait3A_265] : memref<5x128x128xf32, #tpu.memory_space<vmem>> -> memref<1x128x128xf32, #tpu.memory_space<vmem>>
    %dma_wait3A_267 = tpu.memref_squeeze %dma_wait3A_266 : memref<1x128x128xf32, #tpu.memory_space<vmem>> -> memref<128x128xf32, #tpu.memory_space<vmem>>
    tpu.wait_dma2 semaphore(%arg14 : memref<!tpu.dma_semaphore, #tpu.memory_space<semaphore_mem>>) src(%dma_wait3A_267 : memref<128x128xf32, #tpu.memory_space<vmem>>) dst(%dma_wait3A_263 : memref<128x128xf32, #tpu.memory_space<hbm>>)
    %dma_wait3A_268 = arith.constant 3 : i32
    %dma_wait3A_269 = arith.constant 48 : i32
    %dma_wait3A_270 = arith.constant 0 : i32
    %dma_wait3A_271 = arith.constant 0 : i32
    %dma_wait3A_272 = tpu.memref_slice %arg6[%dma_wait3A_268, %dma_wait3A_270, %dma_wait3A_271] : memref<5x128x128xf32, #tpu.memory_space<vmem>> -> memref<1x128x128xf32, #tpu.memory_space<vmem>>
    %dma_wait3A_273 = tpu.memref_squeeze %dma_wait3A_272 : memref<1x128x128xf32, #tpu.memory_space<vmem>> -> memref<128x128xf32, #tpu.memory_space<vmem>>
    %dma_wait3A_274 = arith.constant 0 : i32
    %dma_wait3A_275 = arith.constant 0 : i32
    %dma_wait3A_276 = tpu.memref_slice %arg4[%add3A, %dma_wait3A_269, %dma_wait3A_274, %dma_wait3A_275] : memref<32x50x128x128xf32, #tpu.memory_space<hbm>> -> memref<1x1x128x128xf32, #tpu.memory_space<hbm>>
    %dma_wait3A_277 = tpu.memref_squeeze %dma_wait3A_276 : memref<1x1x128x128xf32, #tpu.memory_space<hbm>> -> memref<128x128xf32, #tpu.memory_space<hbm>>
    %dma_wait3A_278 = arith.constant 0 : i32
    %dma_wait3A_279 = arith.constant 0 : i32
    %dma_wait3A_280 = tpu.memref_slice %arg4[%add3A, %dma_wait3A_269, %dma_wait3A_278, %dma_wait3A_279] : memref<32x50x128x128xf32, #tpu.memory_space<hbm>> -> memref<1x1x128x128xf32, #tpu.memory_space<hbm>>
    %dma_wait3A_281 = tpu.memref_squeeze %dma_wait3A_280 : memref<1x1x128x128xf32, #tpu.memory_space<hbm>> -> memref<128x128xf32, #tpu.memory_space<hbm>>
    %dma_wait3A_282 = arith.constant 0 : i32
    %dma_wait3A_283 = arith.constant 0 : i32
    %dma_wait3A_284 = tpu.memref_slice %arg6[%dma_wait3A_268, %dma_wait3A_282, %dma_wait3A_283] : memref<5x128x128xf32, #tpu.memory_space<vmem>> -> memref<1x128x128xf32, #tpu.memory_space<vmem>>
    %dma_wait3A_285 = tpu.memref_squeeze %dma_wait3A_284 : memref<1x128x128xf32, #tpu.memory_space<vmem>> -> memref<128x128xf32, #tpu.memory_space<vmem>>
    tpu.wait_dma2 semaphore(%arg15 : memref<!tpu.dma_semaphore, #tpu.memory_space<semaphore_mem>>) src(%dma_wait3A_285 : memref<128x128xf32, #tpu.memory_space<vmem>>) dst(%dma_wait3A_281 : memref<128x128xf32, #tpu.memory_space<hbm>>)
    %dma_wait3A_286 = arith.constant 4 : i32
    %dma_wait3A_287 = arith.constant 49 : i32
    %dma_wait3A_288 = arith.constant 0 : i32
    %dma_wait3A_289 = arith.constant 0 : i32
    %dma_wait3A_290 = tpu.memref_slice %arg6[%dma_wait3A_286, %dma_wait3A_288, %dma_wait3A_289] : memref<5x128x128xf32, #tpu.memory_space<vmem>> -> memref<1x128x128xf32, #tpu.memory_space<vmem>>
    %dma_wait3A_291 = tpu.memref_squeeze %dma_wait3A_290 : memref<1x128x128xf32, #tpu.memory_space<vmem>> -> memref<128x128xf32, #tpu.memory_space<vmem>>
    %dma_wait3A_292 = arith.constant 0 : i32
    %dma_wait3A_293 = arith.constant 0 : i32
    %dma_wait3A_294 = tpu.memref_slice %arg4[%add3A, %dma_wait3A_287, %dma_wait3A_292, %dma_wait3A_293] : memref<32x50x128x128xf32, #tpu.memory_space<hbm>> -> memref<1x1x128x128xf32, #tpu.memory_space<hbm>>
    %dma_wait3A_295 = tpu.memref_squeeze %dma_wait3A_294 : memref<1x1x128x128xf32, #tpu.memory_space<hbm>> -> memref<128x128xf32, #tpu.memory_space<hbm>>
    %dma_wait3A_296 = arith.constant 0 : i32
    %dma_wait3A_297 = arith.constant 0 : i32
    %dma_wait3A_298 = tpu.memref_slice %arg4[%add3A, %dma_wait3A_287, %dma_wait3A_296, %dma_wait3A_297] : memref<32x50x128x128xf32, #tpu.memory_space<hbm>> -> memref<1x1x128x128xf32, #tpu.memory_space<hbm>>
    %dma_wait3A_299 = tpu.memref_squeeze %dma_wait3A_298 : memref<1x1x128x128xf32, #tpu.memory_space<hbm>> -> memref<128x128xf32, #tpu.memory_space<hbm>>
    %dma_wait3A_300 = arith.constant 0 : i32
    %dma_wait3A_301 = arith.constant 0 : i32
    %dma_wait3A_302 = tpu.memref_slice %arg6[%dma_wait3A_286, %dma_wait3A_300, %dma_wait3A_301] : memref<5x128x128xf32, #tpu.memory_space<vmem>> -> memref<1x128x128xf32, #tpu.memory_space<vmem>>
    %dma_wait3A_303 = tpu.memref_squeeze %dma_wait3A_302 : memref<1x128x128xf32, #tpu.memory_space<vmem>> -> memref<128x128xf32, #tpu.memory_space<vmem>>
    tpu.wait_dma2 semaphore(%arg16 : memref<!tpu.dma_semaphore, #tpu.memory_space<semaphore_mem>>) src(%dma_wait3A_303 : memref<128x128xf32, #tpu.memory_space<vmem>>) dst(%dma_wait3A_299 : memref<128x128xf32, #tpu.memory_space<hbm>>)
    return
  }
}

</mosaic_0001>

<sc_bundles>
// kernel: kernel.3.cloned.1.call-start
scs
__scs_entry_jumppad:
0x0: {  	(pc) =	sbr.rel $0x88, $3  }
0x1: {  	(tag) =	ssettag $0x0;
	lr =	simm.s32 $0x1  }
0x2: {  	[smem:$0x3F9F] =	sst lr;
	_ =	strace $0xD0000000  }
0x3: {  	_ = 	snop  }
0x4: {  	_ = 	snop  }
0x5: {  	_ = 	snop  }
0x6: {  	_ = 	snop  }
0x7: {  	_ = 	snop  }
__scs_overlays_trampoline_lowered:
0x8: {  	[smem:$0x3FAE] =	sst s0  }
0x9: {  	[smem:$0x3FAF] =	sst s1  }
0xa: {  	[smem:$0x3FB0] =	sst s2  }
0xb: {  	[smem:$0x3FB1] =	sst s3  }
0xc: {  	[smem:$0x3FB2] =	sst s4  }
0xd: {  	[smem:$0x3FB3] =	sst s5  }
0xe: {  	[smem:$0x3FB4] =	sst s6  }
0xf: {  	[smem:$0x3FB5] =	sst s7  }
0x10: {  	[smem:$0x3FB6] =	sst s8  }
0x11: {  	[smem:$0x3FB7] =	sst s9;
	s0 =	simm.s32 @!p0 $0x0  }
0x12: {  	s1 =	sld [smem:$0x3F9D];
	s0 =	simm.s32 @p0 $0x1  }
0x13: {  	[smem:$0x3FB8] =	sst s0;
	s0 =	simm.s32 @!p1 $0x0  }
0x14: {  	s2 =	sld [smem:$0x3F9C];
	s0 =	simm.s32 @p1 $0x1  }
0x15: {  	[smem:$0x3FB9] =	sst s0;
	s0 =	simm.s32 @!p2 $0x0  }
0x16: {  	s3 =	sld [smem:$0x3FDB];
	s0 =	simm.s32 @p2 $0x1  }
0x17: {  	s4 =	simm.s32 $0x1BF5;
	[smem:$0x3FBB] =	sst s0  }
0x18: {  	s0 =	sld [smem:$0x3F9E];
	_ =	swait.ge [sflag:s4], $0x0  }
0x19: {  	s7 =	sld [smem:$0x3F9F]  }
0x1a: {  	s8 =	sadd.s32 $0xFFFFE003, lr  }
0x1b: {  	s9 =	sadd.s32 $0xFFFFFEF7, lr;
	s5 =	simm.s32 $0xFFFFFFFF;
	p2 =	slt.u32 s8, $0xFFFFF086  }
0x1c: {  	p1 =	slt.u32 s9, $0xF7A;
	s5 =	simm.s32 @!p2 $0x0  }
0x1d: {  	s5 =	simm.s32 @p1 $0x1;
	p0 =	seq.s32 s7, s2  }
0x1e: {  	s7 =	smul.u32 @!p0 $0xF7A, s2;
	p2 =	seq.s32 @!p0 s5, $0x0  }
0x1f: {  	s9 =	smul.u32 $0xF7A, s1;
	s8 =	simm.s32 @!p0 $0x1BF5;
	p2 =	por !p2, p0  }
0x20: {  	[sflag:s8] =	ssyncset.s32 @!p0 $0xFFFFF086;
	s6 =	sadd.s32 @!p0 s3, s7;
	s7 =	simm.s32 @!p0 $0x108  }
0x21: {  	s3 =	sadd.s32 s3, s9;
	s6 =	sadd.s32 @!p0 $0x88, s6;
	s7 =	simm.s32 @p2 $0x1082  }
0x22: {  	[simem:s7], [sflag:s8] =	dma.local @!p0 [hbm:s6], $0xF7A  }
0x23: {  	s9 =	sor.u32 $0xD0000000, s2;
	s6 =	simm.s32 $0x108;
	_ =	swait.ge @!p0 [sflag:s8], $0x0  }
0x24: {  	s3 =	sadd.s32 $0x88, s3;
	s6 =	simm.s32 @!p1 $0x1082;
	[sflag:s4] =	ssyncset.s32 $0xFFFFF086  }
0x25: {  	[simem:s6], [sflag:s4] =	dma.local [hbm:s3], $0xF7A  }
0x26: {  	[smem:$0x3F9F] =	sst s1;
	(tag) =	ssettag s2;
	_ =	strace s9  }
0x27: {  	s1 =	sld [smem:$0x3FAF]  }
0x28: {  	s2 =	sld [smem:$0x3FB0]  }
0x29: {  	s4 =	sld [smem:$0x3FB2]  }
0x2a: {  	p0 =	seq.s32 s5, $0x0;
	s5 =	sld [smem:$0x3FB3]  }
0x2b: {  	s6 =	sld [smem:$0x3FB4]  }
0x2c: {  	s7 =	sld [smem:$0x3FB5]  }
0x2d: {  	s3 =	simm.s32 $0x108;
	s8 =	sld [smem:$0x3FB6]  }
0x2e: {  	s3 =	simm.s32 @!p0 $0x1082;
	s9 =	sld [smem:$0x3FB7]  }
0x2f: {  	lr =	sadd.s32 s0, s3;
	s0 =	sld [smem:$0x3FAE]  }
0x30: {  	s3 =	sld [smem:$0x3FB1]  }
0x31: {  	[smem:$0x3FBA] =	sst s10  }
0x32: {  	s10 =	sld [smem:$0x3FB8];
	_ =	sdelay $0x3  }
0x33: {  	p0 =	seq.s32 s10, $0x1;
	s10 =	sld [smem:$0x3FBA];
	_ =	sdelay $0x3  }
0x34: {  	[smem:$0x3FBA] =	sst s10  }
0x35: {  	s10 =	sld [smem:$0x3FB9];
	_ =	sdelay $0x3  }
0x36: {  	p1 =	seq.s32 s10, $0x1;
	s10 =	sld [smem:$0x3FBA];
	_ =	sdelay $0x3  }
0x37: {  	[smem:$0x3FBA] =	sst s10  }
0x38: {  	s10 =	sld [smem:$0x3FBB]  }
0x39: {  	_ = 	snop;
	(pc) =	sbr.ind lr, $3  }
0x3a: {  	_ = 	snop  }
0x3b: {  	_ = 	snop  }
0x3c: {  	p2 =	seq.s32 s10, $0x1;
	s10 =	sld [smem:$0x3FBA]  }
0x3d: {  	_ =	shalt  }
0x3e: {  	_ =	shalt  }
0x3f: {  	_ =	shalt  }
0x40: {  	_ =	shalt  }
0x41: {  	_ =	shalt  }
0x42: {  	_ =	shalt  }
0x43: {  	_ =	shalt  }
0x44: {  	_ =	shalt  }
0x45: {  	_ =	shalt  }
0x46: {  	_ =	shalt  }
0x47: {  	_ =	shalt  }
0x48: {  	_ =	shalt  }
0x49: {  	_ =	shalt  }
0x4a: {  	_ =	shalt  }
0x4b: {  	_ =	shalt  }
0x4c: {  	_ =	shalt  }
0x4d: {  	_ =	shalt  }
0x4e: {  	_ =	shalt  }
0x4f: {  	_ =	shalt  }
0x50: {  	_ =	shalt  }
0x51: {  	_ =	shalt  }
0x52: {  	_ =	shalt  }
0x53: {  	_ =	shalt  }
0x54: {  	_ =	shalt  }
0x55: {  	_ =	shalt  }
0x56: {  	_ =	shalt  }
0x57: {  	_ =	shalt  }
0x58: {  	_ =	shalt  }
0x59: {  	_ =	shalt  }
0x5a: {  	_ =	shalt  }
0x5b: {  	_ =	shalt  }
0x5c: {  	_ =	shalt  }
0x5d: {  	_ =	shalt  }
0x5e: {  	_ =	shalt  }
0x5f: {  	_ =	shalt  }
0x60: {  	_ =	shalt  }
0x61: {  	_ =	shalt  }
0x62: {  	_ =	shalt  }
0x63: {  	_ =	shalt  }
0x64: {  	_ =	shalt  }
0x65: {  	_ =	shalt  }
0x66: {  	_ =	shalt  }
0x67: {  	_ =	shalt  }
0x68: {  	_ =	shalt  }
0x69: {  	_ =	shalt  }
0x6a: {  	_ =	shalt  }
0x6b: {  	_ =	shalt  }
0x6c: {  	_ =	shalt  }
0x6d: {  	_ =	shalt  }
0x6e: {  	_ =	shalt  }
0x6f: {  	_ =	shalt  }
0x70: {  	_ =	shalt  }
0x71: {  	_ =	shalt  }
0x72: {  	_ =	shalt  }
0x73: {  	_ =	shalt  }
0x74: {  	_ =	shalt  }
0x75: {  	_ =	shalt  }
0x76: {  	_ =	shalt  }
0x77: {  	_ =	shalt  }
0x78: {  	_ =	shalt  }
0x79: {  	_ =	shalt  }
0x7a: {  	_ =	shalt  }
0x7b: {  	_ =	shalt  }
0x7c: {  	_ =	shalt  }
0x7d: {  	_ =	shalt  }
0x7e: {  	_ =	shalt  }
0x7f: {  	_ =	shalt  }
0x80: {  	_ =	shalt  }
0x81: {  	_ =	shalt  }
0x82: {  	_ =	shalt  }
0x83: {  	_ =	shalt  }
0x84: {  	_ =	shalt  }
0x85: {  	_ =	shalt  }
0x86: {  	_ =	shalt  }
0x87: {  	_ =	shalt  }
.Lfunc_end0:
.L_simem_size_0:
called_computation_lowered:
.L_overlay_start_0:
0x88: {  	s2 =	sld [smem:$0x3FD9]  }
0x89: {  	s3 =	sld [smem:$0x3FFE];
	_ =	sdelay $0x1  }
0x8a: {  	s1 =	srdreg.scid  }
0x8b: {  	s0 =	sand.u32 $0x1, s1  }
0x8c: {  	s17 =	sshll.u32 s0, $0xA;
	s2 =	sadd.s32 s3, s2  }
0x8d: {  	s2 =	sadd.s32 s2, s17  }
0x8e: {  	[smem:$0x3FC6] =	sst s2  }
0x8f: {  	_ = 	snop  }
0x90: {  	s2 =	sld [smem:$0x3FC8]  }
0x91: {  	s18 =	sld [smem:$0x3FD0];
	(tm) =	ssettm $0x1  }
0x92: {  	s4 =	sld [smem:$0x3FFB];
	_ =	sdelay $0x3  }
0x93: {  	_ =	strace s4  }
0x94: {  	s4 =	sld [smem:$0x3FFC];
	_ =	sdelay $0x3  }
0x95: {  	_ =	strace s4  }
0x96: {  	s4 =	sld [smem:$0x3FFD];
	_ =	sdelay $0x3  }
0x97: {  	_ =	strace s4  }
0x98: {  	_ =	strace $0x8FFFFFFF  }
0x99: {  	s19 =	sld [smem:$0x3FDB];
	_ =	sdelay $0x1  }
0x9a: {  	s5 =	simm.s32 $_scs_section_size  }
0x9b: {  	s6 =	simm.s32 $_size__tile_overlayer_lowered;
	s7 =	simm.s32 $_tile_overlayer_lowered  }
0x9c: {  	s22 =	simm.s32 $0x1BFF;
	s21 =	sshll.u32 s7, $0x1;
	s4 =	sadd.s32 s5, s19  }
0x9d: {  	s8 =	simm.s32 $0x0;
	s20 =	sshll.u32 s6, $0x1;
	s6 =	sadd.s32 s21, s4  }
0x9e: {  	[timem:s8], [sflag:s22] =	dma.local [hbm:s6], s20  }
0x9f: {  	_ =	swait.ge [sflag:s22], s20  }
0xa0: {  	s5 =	ssub.s32 $0x0, s20;
	[sflag:s22] =	ssyncset.done $0x0  }
0xa1: {  	[sflag:s22] =	ssyncadd.s32 s5;
	_ =	sdelay $0x1  }
0xa2: {  	s23 =	simm.s32 $0x1B8B  }
0xa3: {  	_ =	swait.ge [sflag:s23], $0x1  }
0xa4: {  	[sflag:s23] =	ssyncset.done $0x0  }
0xa5: {  	s25 =	simm.s32 $0x1B8E;
	s24 =	sld [smem:$0x3FFE];
	[sflag:s23] =	ssyncadd.s32 $0xFFFFFFFF  }
0xa6: {  	s26 =	simm.s32 $execute0_lowered;
	[smem:$0x3FD2] =	sst s25  }
0xa7: {  	s6 =	sshll.u32 s26, $0x1;
	_ =	strace $0x80000046;
	[dreg:$0x1] =	wrdreg $0xFFFFFFFF  }
0xa8: {  	s28 =	simm.s32 $_size_execute0_lowered;
	s4 =	sadd.s32 s4, s6;
	[dreg:$0x0] =	wrdreg $0x0  }
0xa9: {  	s6 =	sshll.u32 s28, $0x1;
	[dreg:$0x2] =	wrdreg s4  }
0xaa: {  	[dreg:$0x3] =	wrdreg s6  }
0xab: {  	[dreg:$0x4] =	wrdreg $0xC0  }
0xac: {  	_ =	task [dreg:s8], $0x5FFFF  }
0xad: {  	[dreg:$0x1] =	wrdreg $0xFFFFFFFF  }
0xae: {  	[dreg:$0x0] =	wrdreg $0x60  }
0xaf: {  	[dreg:$0x2] =	wrdreg s24  }
0xb0: {  	[dreg:$0x3] =	wrdreg s2  }
0xb1: {  	[dreg:$0x4] =	wrdreg s18  }
0xb2: {  	[dreg:$0x5] =	wrdreg $0x9  }
0xb3: {  	_ =	task.clear_ibuf [dreg:s8], $0x6FFFF;
	_ =	strace $0x90000046  }
0xb4: {  	s29 =	simm.s32 $0x9;
	_ =	strace $0x80000048  }
0xb5: {  	_ =	swait.ge [sflag:s29], $0x1  }
0xb6: {  	[sflag:s29] =	ssyncadd.s32 $0xFFFFFFFF  }
0xb7: {  	_ =	strace $0x90000048  }
0xb8: {  	_ =	sfence  }
0xb9: {  	s30 =	sld [smem:$0x0];
	_ =	sdelay $0x2  }
0xba: {  	s31 =	sshll.u32 s1, $0xD;
	s1 =	sshrl.u32 s1, $0x2  }
0xbb: {  	s3 =	sand.u32 $0x4000, s31;
	s1 =	sadd.s32 s1, s30  }
0xbc: {  	s0 =	sor.u32 s3, s0;
	s1 =	sshll.u32 s1, $0x11  }
0xbd: {  	s0 =	sor.u32 s1, s0  }
0xbe: {  	s0 =	sadd.s32 $0x8F2B, s0  }
0xbf: {  	[sflag:s0] =	ssyncadd.remote.s32 $0x1  }
0xc0: {  	_ =	sfence.sel $0xFFFF  }
0xc1: {  	[dreg:$0x0] =	wrdreg $0xFFFFFFFF;
	(pc) =	sbr.abs _section_cstart, $3  }
0xc2: {  	[dreg:$0x1] =	wrdreg $0xFFFFFFFF  }
0xc3: {  	_ =	task.clear_ibuf [dreg:s8], $0x2FFFF;
	_ =	strace $0x9FFFFFFF  }
0xc4: {  	(tm) =	ssettm $0x7FFFFFFF  }
0xc5: {  	_ =	shalt  }
tec
execute0_lowered:
.L_overlay_start_1:
0x0: {  	(tag) =	ssettag $0x1  }
0x1: {  	s0 =	srdreg.scid;
	s1 =	rddreg [dreg:$0x0]  }
0x2: {  	s8 =	stileid.u32;
	s2 =	rddreg [dreg:$0x1]  }
0x3: {  	s4 =	simm.s32 $0x0;
	s28 =	simm.s32 $0x1;
	s29 =	simm.s32 $0x2  }
0x4: {  	s30 =	simm.s32 $0x3;
	s31 =	simm.s32 $0x6;
	s0 =	sand.u32 $0x1, s0  }
0x5: {  	s3 =	sshll.u32 s8, $0x1;
	[smem:$0x7FF] =	sst s4;
	s8 =	smul.u32 $0x190000, s8  }
0x6: {  	s5 =	sor.u32 s0, s3;
	s7 =	ssub.s32 $0x2, s0;
	s0 =	smul.u32 $0xC8000, s0  }
0x7: {  	s3 =	rddreg [dreg:$0x2];
	s6 =	smul.u32 $0x380, s5;
	s9 =	sshrl.u32 s7, $0x1  }
0x8: {  	_ =	strace $0x80000047;
	s5 =	smul.u32 $0xC8000, s5;
	s16 =	ssub.s32 s7, s9  }
0x9: {  	s0 =	sadd.s32 s0, s8;
	s7 =	simm.s32 $0x0;
	s1 =	sadd.s32 s6, s1  }
0xa: {  	s5 =	sshrl.u32 s5, $0x3;
	s19 =	sadd.s32 $0x10000, s0;
	s21 =	smax.u32 s16, $0x1  }
0xb: {  	s22 =	sadd.s32 $0xC000, s0;
	s23 =	sadd.s32 $0x8000, s0;
	s24 =	sadd.s32 $0x18000, s0  }
0xc: {  	s16 =	sadd.s32 $0x14000, s0;
	s0 =	simm.s32 $0x7;
	s1 =	sadd.s32 $0x400, s1  }
0xd: {  	s5 =	sadd.s32 s3, s5;
	[dreg:$0xa] =	wrdreg s21;
	s25 =	sshrl.u32 s23, $0x3  }
0xe: {  	s26 =	sshrl.u32 s24, $0x3;
	s24 =	simm.s32 $0xDC00;
	s21 =	simm.s32 $0x5  }
0xf: {  	s23 =	simm.s32 $0x8;
	[dreg:$0x4] =	wrdreg s1;
	s17 =	sadd.s32 $0x800, s5  }
0x10: {  	s18 =	sadd.s32 $0x17800, s5;
	s20 =	sadd.s32 $0x18000, s5;
	[dreg:$0x5] =	wrdreg s5  }
0x11: {  	s5 =	sadd.s32 $0x18800, s5;
	s1 =	sshrl.u32 s19, $0x3;
	[dreg:$0x6] =	wrdreg s17  }
0x12: {  	s14 =	sadd.s32 s25, s3;
	s15 =	sadd.s32 s26, s3;
	[dreg:$0x7] =	wrdreg s18  }
0x13: {  	s19 =	simm.s32 $0x1C00;
	s26 =	simm.s32 $0x11C00;
	[dreg:$0x8] =	wrdreg s20  }
0x14: {  	s25 =	simm.s32 $0x9;
	[dreg:$0x9] =	wrdreg s5;
	s1 =	sadd.s32 s1, s3  }
0x15: {  	s18 =	simm.s32 $0x80;
	[dreg:$0xb] =	wrdreg s1;
	s1 =	sshrl.u32 s22, $0x3  }
0x16: {  	s20 =	simm.s32 $0x5C00;
	s5 =	simm.s32 $0xA;
	s1 =	sadd.s32 s1, s3  }
0x17: {  	s22 =	simm.s32 $0x9C00;
	[dreg:$0xc] =	wrdreg s1;
	s1 =	simm.s32 $0x4  }
.LBB2_1:
0x18: {  	s6 =	rddreg [dreg:$0x4];
	s9 =	simm.s32 $0xB  }
0x19: {  	[tilespmem:s4], [sflag:$0xB] =	stream.linear.gather [hbm4b:s6+s4], $0x1900, $0x38;
	[tilespmem:$0x15C00] =	vst v63  }
0x1a: {  	_ =	swait.ge [sflag:s9], $0x1900  }
0x1b: {  	[sflag:s9] =	ssyncset.done $0x0  }
0x1c: {  	[sflag:s9] =	ssyncadd.s32 $0xFFFFE700  }
0x1d: {  	[tilespmem:s19], [sflag:$0x1] =	stream.indirect.gather [hbm4b:s2+s18], $0x80, s4, s18, $0xb8;
	[tilespmem:$0x15C00] =	vst v63  }
0x1e: {  	_ = 	snop  }
0x1f: {  	[tilespmem:s20], [sflag:$0x2] =	stream.indirect.gather [hbm4b:s2+s18], $0x80, s18, s18, $0xb8;
	[tilespmem:$0x15C00] =	vst v63  }
0x20: {  	s10 =	simm.s32 $0x100  }
0x21: {  	[tilespmem:s22], [sflag:$0x3] =	stream.indirect.gather [hbm4b:s2+s18], $0x80, s10, s18, $0xb8;
	[tilespmem:$0x15C00] =	vst v63  }
0x22: {  	s11 =	simm.s32 $0x180  }
0x23: {  	[tilespmem:s24], [sflag:$0x4] =	stream.indirect.gather [hbm4b:s2+s18], $0x80, s11, s18, $0xb8;
	[tilespmem:$0x15C00] =	vst v63  }
0x24: {  	s12 =	simm.s32 $0x200  }
0x25: {  	[tilespmem:s26], [sflag:$0x5] =	stream.indirect.gather [hbm4b:s2+s18], $0x80, s12, s18, $0xb8;
	[tilespmem:$0x15C00] =	vst v63  }
0x26: {  	_ =	swait.ge [sflag:s28], $0x4000  }
0x27: {  	[sflag:s28] =	ssyncset.done $0x0  }
0x28: {  	s13 =	rddreg [dreg:$0x5];
	[sflag:s28] =	ssyncadd.s32 $0xFFFFC000  }
0x29: {  	[hbm4b:s13+s4] =	stream.linear.scatter [tilespmem:s19], [sflag:$0x6], $0x4000, $0x38;
	[tilespmem:$0x15C00] =	vst v63  }
0x2a: {  	_ =	swait.ge [sflag:s29], $0x4000  }
0x2b: {  	[sflag:s29] =	ssyncset.done $0x0  }
0x2c: {  	s17 =	rddreg [dreg:$0x6];
	[sflag:s29] =	ssyncadd.s32 $0xFFFFC000  }
0x2d: {  	[hbm4b:s17+s4] =	stream.linear.scatter [tilespmem:s20], [sflag:$0x7], $0x4000, $0x38;
	[tilespmem:$0x15C00] =	vst v63  }
0x2e: {  	_ =	swait.ge [sflag:s30], $0x4000  }
0x2f: {  	[sflag:s30] =	ssyncset.done $0x0  }
0x30: {  	[sflag:s30] =	ssyncadd.s32 $0xFFFFC000  }
0x31: {  	[hbm4b:s14+s4] =	stream.linear.scatter [tilespmem:s22], [sflag:$0x8], $0x4000, $0x38;
	[tilespmem:$0x15C00] =	vst v63  }
0x32: {  	_ =	swait.ge [sflag:s31], $0x4000  }
0x33: {  	[sflag:s31] =	ssyncset.done $0x0  }
0x34: {  	s8 =	simm.s32 $0x280;
	[sflag:s31] =	ssyncadd.s32 $0xFFFFC000  }
0x35: {  	[tilespmem:s19], [sflag:$0x1] =	stream.indirect.gather [hbm4b:s2+s18], $0x80, s8, s18, $0xb8;
	[tilespmem:$0x15C00] =	vst v63  }
0x36: {  	_ =	swait.ge [sflag:s1], $0x4000  }
0x37: {  	[sflag:s1] =	ssyncset.done $0x0  }
0x38: {  	s11 =	rddreg [dreg:$0xc];
	[sflag:s1] =	ssyncadd.s32 $0xFFFFC000  }
0x39: {  	[hbm4b:s11+s4] =	stream.linear.scatter [tilespmem:s24], [sflag:$0x9], $0x4000, $0x38;
	[tilespmem:$0x15C00] =	vst v63  }
0x3a: {  	_ =	swait.ge [sflag:s0], $0x4000  }
0x3b: {  	[sflag:s0] =	ssyncset.done $0x0  }
0x3c: {  	s9 =	simm.s32 $0x300;
	[sflag:s0] =	ssyncadd.s32 $0xFFFFC000  }
0x3d: {  	[tilespmem:s20], [sflag:$0x2] =	stream.indirect.gather [hbm4b:s2+s18], $0x80, s9, s18, $0xb8;
	[tilespmem:$0x15C00] =	vst v63  }
0x3e: {  	_ =	swait.ge [sflag:s21], $0x4000  }
0x3f: {  	[sflag:s21] =	ssyncset.done $0x0  }
0x40: {  	s13 =	rddreg [dreg:$0xb];
	[sflag:s21] =	ssyncadd.s32 $0xFFFFC000  }
0x41: {  	[hbm4b:s13+s4] =	stream.linear.scatter [tilespmem:s26], [sflag:$0xA], $0x4000, $0x38;
	[tilespmem:$0x15C00] =	vst v63  }
0x42: {  	_ =	swait.ge [sflag:s23], $0x4000  }
0x43: {  	[sflag:s23] =	ssyncset.done $0x0  }
0x44: {  	s10 =	simm.s32 $0x380;
	[sflag:s23] =	ssyncadd.s32 $0xFFFFC000  }
0x45: {  	[tilespmem:s22], [sflag:$0x3] =	stream.indirect.gather [hbm4b:s2+s18], $0x80, s10, s18, $0xb8;
	[tilespmem:$0x15C00] =	vst v63  }
0x46: {  	_ =	swait.ge [sflag:s28], $0x4000  }
0x47: {  	s12 =	sshrl.u32 s16, $0x3;
	[sflag:s28] =	ssyncset.done $0x0  }
0x48: {  	s6 =	sadd.s32 s3, s12;
	[sflag:s28] =	ssyncadd.s32 $0xFFFFC000  }
0x49: {  	[hbm4b:s6+s4] =	stream.linear.scatter [tilespmem:s19], [sflag:$0x6], $0x4000, $0x38;
	[tilespmem:$0x15C00] =	vst v63  }
0x4a: {  	_ =	swait.ge [sflag:s25], $0x4000  }
0x4b: {  	[sflag:s25] =	ssyncset.done $0x0  }
0x4c: {  	s17 =	simm.s32 $0x400;
	[sflag:s25] =	ssyncadd.s32 $0xFFFFC000  }
0x4d: {  	[tilespmem:s24], [sflag:$0x4] =	stream.indirect.gather [hbm4b:s2+s18], $0x80, s17, s18, $0xb8;
	[tilespmem:$0x15C00] =	vst v63  }
0x4e: {  	_ =	swait.ge [sflag:s29], $0x4000  }
0x4f: {  	[sflag:s29] =	ssyncset.done $0x0  }
0x50: {  	s12 =	simm.s32 $0x480;
	[sflag:s29] =	ssyncadd.s32 $0xFFFFC000  }
0x51: {  	[hbm4b:s15+s4] =	stream.linear.scatter [tilespmem:s20], [sflag:$0x7], $0x4000, $0x38;
	[tilespmem:$0x15C00] =	vst v63  }
0x52: {  	s8 =	simm.s32 $0xA00;
	s11 =	sadd.s32 $0x2800, s11;
	_ =	swait.ge [sflag:s5], $0x4000  }
0x53: {  	s9 =	sadd.s32 $0x2800, s15;
	s10 =	sadd.s32 $0x14000, s16;
	[sflag:s5] =	ssyncset.done $0x0  }
0x54: {  	s6 =	sadd.s32 $0x2800, s14;
	s17 =	sadd.s32 $0x2800, s13;
	[sflag:s5] =	ssyncadd.s32 $0xFFFFC000  }
.LBB2_2:
0x55: {  	[tilespmem:s26], [sflag:$0x5] =	stream.indirect.gather [hbm4b:s2+s18], $0x80, s12, s18, $0xb8;
	[tilespmem:$0x15C00] =	vst v63  }
0x56: {  	s12 =	smov.u32 s8  }
0x57: {  	p0 =	sne.s32 s8, $0x5000;
	s8 =	sadd.s32 $0xA00, s8;
	_ =	swait.ge [sflag:s30], $0x4000  }
0x58: {  	[sflag:s30] =	ssyncset.done $0x0  }
0x59: {  	[sflag:s30] =	ssyncadd.s32 $0xFFFFC000  }
0x5a: {  	[hbm4b:s6+s4] =	stream.linear.scatter [tilespmem:s22], [sflag:$0x8], $0x4000, $0x38;
	[tilespmem:$0x15C00] =	vst v63  }
0x5b: {  	_ =	swait.ge [sflag:s31], $0x4000  }
0x5c: {  	s12 =	sshra.s32 s12, $0x2;
	[sflag:s31] =	ssyncset.done $0x0  }
0x5d: {  	s13 =	sadd.s32 $0x280, s12;
	[sflag:s31] =	ssyncadd.s32 $0xFFFFC000  }
0x5e: {  	[tilespmem:s19], [sflag:$0x1] =	stream.indirect.gather [hbm4b:s2+s18], $0x80, s13, s18, $0xb8;
	[tilespmem:$0x15C00] =	vst v63  }
0x5f: {  	_ =	swait.ge [sflag:s1], $0x4000  }
0x60: {  	[sflag:s1] =	ssyncset.done $0x0  }
0x61: {  	[sflag:s1] =	ssyncadd.s32 $0xFFFFC000  }
0x62: {  	[hbm4b:s11+s4] =	stream.linear.scatter [tilespmem:s24], [sflag:$0x9], $0x4000, $0x38;
	[tilespmem:$0x15C00] =	vst v63  }
0x63: {  	_ =	swait.ge [sflag:s0], $0x4000  }
0x64: {  	[sflag:s0] =	ssyncset.done $0x0  }
0x65: {  	s13 =	sadd.s32 $0x300, s12;
	[sflag:s0] =	ssyncadd.s32 $0xFFFFC000  }
0x66: {  	[tilespmem:s20], [sflag:$0x2] =	stream.indirect.gather [hbm4b:s2+s18], $0x80, s13, s18, $0xb8;
	[tilespmem:$0x15C00] =	vst v63  }
0x67: {  	_ =	swait.ge [sflag:s21], $0x4000  }
0x68: {  	[sflag:s21] =	ssyncset.done $0x0  }
0x69: {  	[sflag:s21] =	ssyncadd.s32 $0xFFFFC000  }
0x6a: {  	[hbm4b:s17+s4] =	stream.linear.scatter [tilespmem:s26], [sflag:$0xA], $0x4000, $0x38;
	[tilespmem:$0x15C00] =	vst v63  }
0x6b: {  	_ =	swait.ge [sflag:s23], $0x4000  }
0x6c: {  	[sflag:s23] =	ssyncset.done $0x0  }
0x6d: {  	s13 =	sadd.s32 $0x380, s12;
	[sflag:s23] =	ssyncadd.s32 $0xFFFFC000  }
0x6e: {  	[tilespmem:s22], [sflag:$0x3] =	stream.indirect.gather [hbm4b:s2+s18], $0x80, s13, s18, $0xb8;
	[tilespmem:$0x15C00] =	vst v63  }
0x6f: {  	_ =	swait.ge [sflag:s28], $0x4000  }
0x70: {  	s13 =	sshrl.u32 s10, $0x3;
	[sflag:s28] =	ssyncset.done $0x0  }
0x71: {  	s13 =	sadd.s32 s3, s13;
	[sflag:s28] =	ssyncadd.s32 $0xFFFFC000  }
0x72: {  	[hbm4b:s13+s4] =	stream.linear.scatter [tilespmem:s19], [sflag:$0x6], $0x4000, $0x38;
	[tilespmem:$0x15C00] =	vst v63  }
0x73: {  	_ =	swait.ge [sflag:s25], $0x4000  }
0x74: {  	[sflag:s25] =	ssyncset.done $0x0  }
0x75: {  	s13 =	sadd.s32 $0x400, s12;
	[sflag:s25] =	ssyncadd.s32 $0xFFFFC000  }
0x76: {  	[tilespmem:s24], [sflag:$0x4] =	stream.indirect.gather [hbm4b:s2+s18], $0x80, s13, s18, $0xb8;
	[tilespmem:$0x15C00] =	vst v63  }
0x77: {  	_ =	swait.ge [sflag:s29], $0x4000  }
0x78: {  	[sflag:s29] =	ssyncset.done $0x0  }
.Ltmp0:
0x79: {  	[sflag:s29] =	ssyncadd.s32 $0xFFFFC000;
	(pc) =	sbr.rel @p0 .LBB2_2-.Ltmp0, $4  }
0x7a: {  	[hbm4b:s9+s4] =	stream.linear.scatter [tilespmem:s20], [sflag:$0x7], $0x4000, $0x38;
	[tilespmem:$0x15C00] =	vst v63  }
0x7b: {  	s10 =	sadd.s32 $0x14000, s10;
	s9 =	sadd.s32 $0x2800, s9;
	_ =	swait.ge [sflag:s5], $0x4000  }
0x7c: {  	s6 =	sadd.s32 $0x2800, s6;
	s11 =	sadd.s32 $0x2800, s11;
	[sflag:s5] =	ssyncset.done $0x0  }
0x7d: {  	s17 =	sadd.s32 $0x2800, s17;
	s12 =	sadd.s32 $0x480, s12;
	[sflag:s5] =	ssyncadd.s32 $0xFFFFC000  }
0x7e: {  	[tilespmem:s26], [sflag:$0x5] =	stream.indirect.gather [hbm4b:s2+s18], $0x80, s12, s18, $0xb8;
	[tilespmem:$0x15C00] =	vst v63  }
0x7f: {  	_ =	swait.ge [sflag:s30], $0x4000  }
0x80: {  	[sflag:s30] =	ssyncset.done $0x0  }
0x81: {  	s6 =	rddreg [dreg:$0x7];
	[sflag:s30] =	ssyncadd.s32 $0xFFFFC000  }
0x82: {  	[hbm4b:s6+s4] =	stream.linear.scatter [tilespmem:s22], [sflag:$0x8], $0x4000, $0x38;
	[tilespmem:$0x15C00] =	vst v63  }
0x83: {  	_ =	swait.ge [sflag:s31], $0x4000  }
0x84: {  	[sflag:s31] =	ssyncset.done $0x0  }
0x85: {  	[sflag:s31] =	ssyncadd.s32 $0xFFFFC000  }
0x86: {  	_ =	swait.ge [sflag:s1], $0x4000  }
0x87: {  	[sflag:s1] =	ssyncset.done $0x0  }
0x88: {  	s12 =	rddreg [dreg:$0x8];
	[sflag:s1] =	ssyncadd.s32 $0xFFFFC000  }
0x89: {  	[hbm4b:s12+s4] =	stream.linear.scatter [tilespmem:s24], [sflag:$0x9], $0x4000, $0x38;
	[tilespmem:$0x15C00] =	vst v63  }
0x8a: {  	_ =	swait.ge [sflag:s0], $0x4000  }
0x8b: {  	[sflag:s0] =	ssyncset.done $0x0  }
0x8c: {  	[sflag:s0] =	ssyncadd.s32 $0xFFFFC000  }
0x8d: {  	_ =	swait.ge [sflag:s21], $0x4000  }
0x8e: {  	[sflag:s21] =	ssyncset.done $0x0  }
0x8f: {  	s13 =	rddreg [dreg:$0x9];
	[sflag:s21] =	ssyncadd.s32 $0xFFFFC000  }
0x90: {  	[hbm4b:s13+s4] =	stream.linear.scatter [tilespmem:s26], [sflag:$0xA], $0x4000, $0x38;
	[tilespmem:$0x15C00] =	vst v63  }
0x91: {  	_ =	swait.ge [sflag:s23], $0x4000  }
0x92: {  	[sflag:s23] =	ssyncset.done $0x0  }
0x93: {  	[sflag:s23] =	ssyncadd.s32 $0xFFFFC000  }
0x94: {  	_ =	swait.ge [sflag:s25], $0x4000  }
0x95: {  	[sflag:s25] =	ssyncset.done $0x0  }
0x96: {  	[sflag:s25] =	ssyncadd.s32 $0xFFFFC000  }
0x97: {  	_ =	swait.ge [sflag:s5], $0x4000  }
0x98: {  	s7 =	sadd.s32 $0x1, s7;
	s17 =	rddreg [dreg:$0xa]  }
0x99: {  	p0 =	sne.s32 s7, s17  }
.Ltmp1:
0x9a: {  	_ = 	snop;
	(pc) =	sbr.rel @p0 .LBB2_1-.Ltmp1, $3  }
0x9b: {  	_ =	sdelay $0x1  }
0x9c: {  	[sflag:s5] =	ssyncset.done $0x0  }
0x9d: {  	[sflag:s5] =	ssyncadd.s32 $0xFFFFC000  }
0x9e: {  	_ =	sfence.sel $0x180000  }
0x9f: {  	[bflag:$0x0] =	sbarrier.arrive $0xFFFF  }
0xa0: {  	_ =	strace $0x90000047  }
0xa1: {  	s0 =	stileid.u32;
	[bflag:$0x2] =	sbarrier.arrive $0xFFFF  }
0xa2: {  	p0 =	sne.s32 s0, $0x0;
	s0 =	rddreg [dreg:$0x3]  }
0xa3: {  	s0 =	sadd.s32 @!p0 $0x100000, s0  }
0xa4: {  	[sflag:s0] =	ssyncadd.tile.s32 @!p0 $0x1;
	_ =	shalt  }
.Lfunc_end2:
_tile_overlayer_lowered:
.L_overlay_start_2:
0xa5: {  	(tag) =	ssettag $0x2  }
0xa6: {  	s0 =	rddreg [dreg:$0x0];
	s2 =	stileid.u32  }
0xa7: {  	s1 =	rddreg [dreg:$0x1];
	p0 =	sne.s32 s2, $0x0  }
0xa8: {  	s3 =	rddreg [dreg:$0x2];
	[bflag:$0x3] =	sbarrier.arrive $0xFFFF;
	s2 =	simm.s32 @!p0 $0x1C0B  }
0xa9: {  	[timem:s3], [sflag:s2] =	dma.local @!p0 [hbm:s0], s1  }
0xaa: {  	s0 =	simm.s32 @!p0 $0xB  }
0xab: {  	_ =	swait.ge @!p0 [sflag:s0], s1  }
0xac: {  	s1 =	ssub.s32 @!p0 $0x0, s1;
	[sflag:s0] =	ssyncset.done @!p0 $0x0  }
0xad: {  	[sflag:s0] =	ssyncadd.s32 @!p0 s1  }
0xae: {  	[bflag:$0x3] =	sbarrier.arrive $0xFFFF  }
0xaf: {  	_ =	shalt  }

</sc_bundles>
